<compile_context>
chip_gen: v7x
topology: tpu7x:2x2x1
jax: 0.10.2.dev20260603
libtpu: 0.0.44.dev20260713+nightly
codegen_flags: <defaults>
</compile_context>

<pallas_src>
import functools

import jax
import jax.numpy as jnp
from jax import lax
from jax.experimental import pallas as pl
from jax.experimental.pallas import tpu as pltpu
from jax.experimental.pallas import tpu_sc as plsc

_NC = 2
_NS = 16
_L = 16


def _build(B, F, V, D):
    NW = _NC * _NS
    BPW = B // NW
    C = 64
    NCH = BPW // C
    IPC = C * F
    NSUB = IPC // 128
    assert B % NW == 0 and BPW % C == 0 and IPC % 128 == 0

    mesh = plsc.VectorSubcoreMesh(core_axis_name="c", subcore_axis_name="s")

    @functools.partial(
        pl.kernel,
        mesh=mesh,
        compiler_params=pltpu.CompilerParams(
            needs_layout_passes=False, use_tc_tiling_on_sc=False),
        out_type=jax.ShapeDtypeStruct((B,), jnp.float32),
        scratch_types=[
            pltpu.VMEM((IPC,), jnp.int32),
            pltpu.VMEM((NSUB, 128), jnp.int32),
            pltpu.VMEM((IPC, _L), jnp.float32),
            pltpu.VMEM((IPC + _L,), jnp.float32),
            pltpu.VMEM((C,), jnp.float32),
            pltpu.VMEM((_L,), jnp.float32),
            pltpu.SemaphoreType.DMA,
        ],
    )
    def fm(x_hbm, emb_hbm, lin_hbm, lb_hbm, out_hbm,
           x_v, idx_v, rows_v, lin_v, out_v, lb_v, sem):
        cid = lax.axis_index("c")
        sid = lax.axis_index("s")
        wid = sid * _NC + cid
        base = wid * BPW

        pltpu.sync_copy(lb_hbm, lb_v.at[pl.ds(0, 1)])
        lb = lb_v[pl.ds(0, _L)][0]

        lane = lax.iota(jnp.int32, _L)
        m_tail = jnp.where(lane < (F - _L), 1.0, 0.0).astype(jnp.float32)
        m_last = lane == (_L - 1)
        zeros_i = jnp.zeros((_L,), jnp.int32)

        def chunk_body(ci, carry):
            cbase = base + ci * C
            pltpu.sync_copy(x_hbm.at[pl.ds(cbase * F, IPC)], x_v)

            def idx_body(r, carry2):
                for j in range(128 // _L):
                    p0 = r * 128 + j * _L
                    pos = p0 + lane
                    fld = lax.rem(pos, F)
                    idx_v[r, pl.ds(j * _L, _L)] = x_v[pl.ds(p0, _L)] + fld * V
                return carry2
            lax.fori_loop(0, NSUB, idx_body, 0)

            copies = []
            for j in range(NSUB):
                copies.append(pltpu.async_copy(
                    emb_hbm.at[idx_v.at[j]],
                    rows_v.at[pl.ds(j * 128, 128)], sem))
                copies.append(pltpu.async_copy(
                    lin_hbm.at[idx_v.at[j]],
                    lin_v.at[pl.ds(j * 128, 128)], sem))
            for cp in copies:
                cp.wait()

            def row_body(b, carry2):
                rbase = b * F
                acc = rows_v[rbase, :]
                acc2 = acc * acc
                for f in range(1, F):
                    r = rows_v[rbase + f, :]
                    acc = acc + r
                    acc2 = acc2 + r * r
                lv = lin_v[pl.ds(rbase, _L)] + lin_v[pl.ds(rbase + _L, _L)] * m_tail
                cs = plsc.cumsum(acc)
                cq = plsc.cumsum(acc2)
                cl = plsc.cumsum(lv)
                logit = cl + lb + 0.5 * (cs * cs - cq)
                sig = 1.0 / (1.0 + jnp.exp(-logit))
                plsc.store_scatter(out_v, [zeros_i + b], sig, mask=m_last)
                return carry2
            lax.fori_loop(0, C, row_body, 0)

            pltpu.sync_copy(out_v, out_hbm.at[pl.ds(cbase, C)])
            return carry
        lax.fori_loop(0, NCH, chunk_body, 0)

    return fm


def kernel(x, emb_table, lin_w, lin_b):
    B, F = x.shape
    D = emb_table.shape[1]
    V = emb_table.shape[0] // F
    fm = _build(B, F, V, D)
    out = fm(x.reshape(B * F).astype(jnp.int32), emb_table, lin_w, lin_b)
    return out.reshape(B, 1)

# --- scband reference (transcript-rebuilt; emitter-appended) ---
"""Pipeline reference for scband-factorization-machines-18691697672753 (READ-ONLY COPY).

The authoritative reference and input builder live on the scoring server;
editing this copy changes nothing except your own understanding.
"""

import jax, jax.numpy as jnp
import numpy as np

B = 16384
F = 26
V = 100000
D = 16


def setup_inputs(seed: int = 0) -> dict:
    key = jax.random.key(seed)
    k1, k2, k3 = jax.random.split(key, 3)
    x = jax.random.randint(k1, (B, F), 0, V)
    emb_table = jax.random.normal(k2, (F * V, D), dtype=jnp.float32) * 0.01
    lin_w = jax.random.normal(k3, (F * V,), dtype=jnp.float32) * 0.0001
    lin_b = jnp.zeros((1,), dtype=jnp.float32)
    return {"x": x, "emb_table": emb_table, "lin_w": lin_w, "lin_b": lin_b}


def reference(x, emb_table, lin_w, lin_b):
    # per-field offsets so each field has its own slice of the shared flat table
    offsets = jnp.arange(F, dtype=x.dtype) * V
    idx = x + offsets[None, :]  # [B, F]

    # wide part: linear over (implicit) one-hot inputs == gather of linear weights
    lin_gathered = jnp.take(lin_w, idx, axis=0)  # [B, F]
    linear_out = jnp.sum(lin_gathered, axis=1, keepdims=True) + lin_b  # [B, 1]

    # deep part: embedding lookup, flattened to [B, F*D] (concatenated embeddings)
    emb = jnp.take(emb_table, idx, axis=0)  # [B, F, D]
    deep_in = emb.reshape(B, F * D)  # [B, F*D]

    # AttentionNet: FM-style cross term
    square_of_sum = jnp.sum(deep_in, axis=1, keepdims=True) ** 2  # [B, 1]
    sum_of_square = jnp.sum(deep_in ** 2, axis=1, keepdims=True)  # [B, 1]
    cross_term = 0.5 * (square_of_sum - sum_of_square)  # [B, 1]

    out = jax.nn.sigmoid(linear_out + cross_term)  # [B, 1]
    return out

if __name__ == "__main__":
    import jax
    _d = setup_inputs()
    print(jax.jit(kernel)(*tuple(_d.values())))

</pallas_src>

<mosaic_0001>
#map = affine_map<(d0, d1) -> (0)>
#map1 = affine_map<(d0, d1) -> (0, 0)>
module attributes {stable_mosaic.version = 14 : i64} {
  func.func @fm(%arg0: i32, %arg1: i32, %arg2: memref<425984xi32, #tpu.memory_space<hbm>>, %arg3: memref<2600000x16xf32, #tpu.memory_space<hbm>>, %arg4: memref<2600000xf32, #tpu.memory_space<hbm>>, %arg5: memref<1xf32, #tpu.memory_space<hbm>>, %arg6: memref<16384xf32, #tpu.memory_space<hbm>>, %arg7: memref<1664xi32, #tpu.memory_space<vmem>>, %arg8: memref<13x128xi32, #tpu.memory_space<vmem>>, %arg9: memref<1664x16xf32, #tpu.memory_space<vmem>>, %arg10: memref<1680xf32, #tpu.memory_space<vmem>>, %arg11: memref<64xf32, #tpu.memory_space<vmem>>, %arg12: memref<16xf32, #tpu.memory_space<vmem>>, %arg13: memref<!tpu.dma_semaphore, #tpu.memory_space<semaphore_mem>>) attributes {dimension_semantics = [#tpu.dimension_semantics<core_parallel>, #tpu.dimension_semantics<subcore_parallel>], iteration_bounds = array<i64: 2, 16>, scalar_prefetch = 0 : i64, scratch_operands = 7 : i64, tpu.core_type = #tpu.core_type<sc_vector_subcore>, window_params = [{transform_indices = #map}, {transform_indices = #map1}, {transform_indices = #map}, {transform_indices = #map}, {transform_indices = #map}]} {
    %mul3A = arith.constant 2 : i32
    %mul3A_0 = arith.muli %arg1, %mul3A : i32
    %add3A = arith.addi %mul3A_0, %arg0 : i32
    %mul3A_1 = arith.constant 512 : i32
    %mul3A_2 = arith.muli %add3A, %mul3A_1 : i32
    "tpu.region"() ({
      %run_scoped3A = tpu.sem_alloc : memref<!tpu.dma_semaphore, #tpu.memory_space<semaphore_mem>>
      %dma_start3A = arith.constant 0 : i32
      %dma_start3A_17 = tpu.memref_slice %arg12[%dma_start3A] : memref<16xf32, #tpu.memory_space<vmem>> -> memref<1xf32, #tpu.memory_space<vmem>>
      %dma_start3A_18 = arith.constant 0 : i32
      %dma_start3A_19 = tpu.memref_slice %arg12[%dma_start3A_18] : memref<16xf32, #tpu.memory_space<vmem>> -> memref<1xf32, #tpu.memory_space<vmem>>
      tpu.enqueue_dma source(%arg5 : memref<1xf32, #tpu.memory_space<hbm>>) target(%dma_start3A_19 : memref<1xf32, #tpu.memory_space<vmem>>) target_semaphore(%run_scoped3A : memref<!tpu.dma_semaphore, #tpu.memory_space<semaphore_mem>>)
      %dma_wait3A = arith.constant 0 : i32
      %dma_wait3A_20 = tpu.memref_slice %arg12[%dma_wait3A] : memref<16xf32, #tpu.memory_space<vmem>> -> memref<1xf32, #tpu.memory_space<vmem>>
      %dma_wait3A_21 = arith.constant 0 : i32
      %dma_wait3A_22 = tpu.memref_slice %arg12[%dma_wait3A_21] : memref<16xf32, #tpu.memory_space<vmem>> -> memref<1xf32, #tpu.memory_space<vmem>>
      tpu.wait_dma2 semaphore(%run_scoped3A : memref<!tpu.dma_semaphore, #tpu.memory_space<semaphore_mem>>) src(%arg5 : memref<1xf32, #tpu.memory_space<hbm>>) dst(%dma_wait3A_22 : memref<1xf32, #tpu.memory_space<vmem>>)
      tpu.yield
    }) : () -> ()
    %get3A = arith.constant 0 : index
    %get3A_3 = tpu.vector_load %arg12[%get3A] {strides = array<i32>} : memref<16xf32, #tpu.memory_space<vmem>>, vector<16xf32>,
    %slice3A = vector.extract_strided_slice %get3A_3 {offsets = [0], sizes = [1], strides = [1]} : vector<16xf32> to vector<1xf32>
    %squeeze3A = vector.extract %slice3A[0] : f32 from vector<1xf32>
    %iota3A = tpu.iota {dimensions = array<i32: 0>} : vector<16xi32>
    %lt3A = arith.constant 10 : i32
    %lt3A_4 = vector.broadcast %lt3A : i32 to vector<16xi32>
    %lt3A_5 = arith.cmpi slt, %iota3A, %lt3A_4 : vector<16xi32>
    %jit3A = arith.constant 1.000000e+00 : f32
    %jit3A_6 = arith.constant 0.000000e+00 : f32
    %broadcast_in_dim3A = vector.broadcast %jit3A : f32 to vector<16xf32>
    %broadcast_in_dim3A_7 = vector.broadcast %jit3A_6 : f32 to vector<16xf32>
    %select_n3A = arith.select %lt3A_5, %broadcast_in_dim3A, %broadcast_in_dim3A_7 : vector<16xi1>, vector<16xf32>
    %eq3A = arith.constant 15 : i32
    %eq3A_8 = vector.broadcast %eq3A : i32 to vector<16xi32>
    %eq3A_9 = arith.cmpi eq, %iota3A, %eq3A_8 : vector<16xi32>
    %broadcast_in_dim3A_10 = arith.constant 0 : i32
    %broadcast_in_dim3A_11 = vector.broadcast %broadcast_in_dim3A_10 : i32 to vector<16xi32>
    %scan3A = arith.constant 0 : i32
    %scan3A_12 = arith.constant 0 : i32
    %scan3A_13 = arith.constant 8 : i32
    %scan3A_14 = arith.addi %scan3A_12, %scan3A_13 : i32
    %scan3A_15 = arith.constant 1 : i32
    scf.for %scan3A_17 = %scan3A_12 to %scan3A_14 step %scan3A_15  : i32 {
      %mul3A_18 = arith.constant 64 : i32
      %mul3A_19 = arith.muli %scan3A_17, %mul3A_18 : i32
      %add3A_20 = arith.addi %mul3A_2, %mul3A_19 : i32
      %mul3A_21 = arith.constant 26 : i32
      %mul3A_22 = arith.muli %add3A_20, %mul3A_21 : i32
      "tpu.region"() ({
        %run_scoped3A = tpu.sem_alloc : memref<!tpu.dma_semaphore, #tpu.memory_space<semaphore_mem>>
        %dma_start3A_501 = tpu.memref_slice %arg2[%mul3A_22] : memref<425984xi32, #tpu.memory_space<hbm>> -> memref<1664xi32, #tpu.memory_space<hbm>>
        %dma_start3A_502 = tpu.memref_slice %arg2[%mul3A_22] : memref<425984xi32, #tpu.memory_space<hbm>> -> memref<1664xi32, #tpu.memory_space<hbm>>
        tpu.enqueue_dma source(%dma_start3A_502 : memref<1664xi32, #tpu.memory_space<hbm>>) target(%arg7 : memref<1664xi32, #tpu.memory_space<vmem>>) target_semaphore(%run_scoped3A : memref<!tpu.dma_semaphore, #tpu.memory_space<semaphore_mem>>)
        %dma_wait3A_503 = tpu.memref_slice %arg2[%mul3A_22] : memref<425984xi32, #tpu.memory_space<hbm>> -> memref<1664xi32, #tpu.memory_space<hbm>>
        %dma_wait3A_504 = tpu.memref_slice %arg2[%mul3A_22] : memref<425984xi32, #tpu.memory_space<hbm>> -> memref<1664xi32, #tpu.memory_space<hbm>>
        tpu.wait_dma2 semaphore(%run_scoped3A : memref<!tpu.dma_semaphore, #tpu.memory_space<semaphore_mem>>) src(%dma_wait3A_504 : memref<1664xi32, #tpu.memory_space<hbm>>) dst(%arg7 : memref<1664xi32, #tpu.memory_space<vmem>>)
        tpu.yield
      }) : () -> ()
      %scan3A_23 = arith.constant 0 : i32
      %scan3A_24 = arith.constant 0 : i32
      %scan3A_25 = arith.constant 13 : i32
      %scan3A_26 = arith.addi %scan3A_24, %scan3A_25 : i32
      %scan3A_27 = arith.constant 1 : i32
      scf.for %scan3A_501 = %scan3A_24 to %scan3A_26 step %scan3A_27  : i32 {
        %mul3A_502 = arith.constant 128 : i32
        %mul3A_503 = arith.muli %scan3A_501, %mul3A_502 : i32
        %add3A_504 = arith.constant 0 : i32
        %add3A_505 = arith.addi %mul3A_503, %add3A_504 : i32
        %add3A_506 = vector.broadcast %add3A_505 : i32 to vector<16xi32>
        %add3A_507 = arith.addi %add3A_506, %iota3A : vector<16xi32>
        %rem3A = arith.constant 26 : i32
        %rem3A_508 = vector.broadcast %rem3A : i32 to vector<16xi32>
        %rem3A_509 = arith.remsi %add3A_507, %rem3A_508 : vector<16xi32>
        %get3A_510 = arith.index_cast %add3A_505 : i32 to index
        %get3A_511 = tpu.vector_load %arg7[%get3A_510] {strides = array<i32>} : memref<1664xi32, #tpu.memory_space<vmem>>, vector<16xi32>,
        %mul3A_512 = arith.constant 100000 : i32
        %mul3A_513 = vector.broadcast %mul3A_512 : i32 to vector<16xi32>
        %mul3A_514 = arith.muli %rem3A_509, %mul3A_513 : vector<16xi32>
        %add3A_515 = arith.addi %get3A_511, %mul3A_514 : vector<16xi32>
        %swap3A = arith.index_cast %scan3A_501 : i32 to index
        %swap3A_516 = arith.constant 0 : index
        %swap3A_517 = tpu.vector_load %arg8[%swap3A, %swap3A_516] {strides = array<i32>} : memref<13x128xi32, #tpu.memory_space<vmem>>, vector<16xi32>,
        tpu.vector_store %arg8[%swap3A, %swap3A_516], %add3A_515 {strides = array<i32>} : memref<13x128xi32, #tpu.memory_space<vmem>>, vector<16xi32>,
        %mul3A_518 = arith.constant 128 : i32
        %mul3A_519 = arith.muli %scan3A_501, %mul3A_518 : i32
        %add3A_520 = arith.constant 16 : i32
        %add3A_521 = arith.addi %mul3A_519, %add3A_520 : i32
        %add3A_522 = vector.broadcast %add3A_521 : i32 to vector<16xi32>
        %add3A_523 = arith.addi %add3A_522, %iota3A : vector<16xi32>
        %rem3A_524 = arith.constant 26 : i32
        %rem3A_525 = vector.broadcast %rem3A_524 : i32 to vector<16xi32>
        %rem3A_526 = arith.remsi %add3A_523, %rem3A_525 : vector<16xi32>
        %get3A_527 = arith.index_cast %add3A_521 : i32 to index
        %get3A_528 = tpu.vector_load %arg7[%get3A_527] {strides = array<i32>} : memref<1664xi32, #tpu.memory_space<vmem>>, vector<16xi32>,
        %mul3A_529 = arith.constant 100000 : i32
        %mul3A_530 = vector.broadcast %mul3A_529 : i32 to vector<16xi32>
        %mul3A_531 = arith.muli %rem3A_526, %mul3A_530 : vector<16xi32>
        %add3A_532 = arith.addi %get3A_528, %mul3A_531 : vector<16xi32>
        %swap3A_533 = arith.index_cast %scan3A_501 : i32 to index
        %swap3A_534 = arith.constant 16 : index
        %swap3A_535 = tpu.vector_load %arg8[%swap3A_533, %swap3A_534] {strides = array<i32>} : memref<13x128xi32, #tpu.memory_space<vmem>>, vector<16xi32>,
        tpu.vector_store %arg8[%swap3A_533, %swap3A_534], %add3A_532 {strides = array<i32>} : memref<13x128xi32, #tpu.memory_space<vmem>>, vector<16xi32>,
        %mul3A_536 = arith.constant 128 : i32
        %mul3A_537 = arith.muli %scan3A_501, %mul3A_536 : i32
        %add3A_538 = arith.constant 32 : i32
        %add3A_539 = arith.addi %mul3A_537, %add3A_538 : i32
        %add3A_540 = vector.broadcast %add3A_539 : i32 to vector<16xi32>
        %add3A_541 = arith.addi %add3A_540, %iota3A : vector<16xi32>
        %rem3A_542 = arith.constant 26 : i32
        %rem3A_543 = vector.broadcast %rem3A_542 : i32 to vector<16xi32>
        %rem3A_544 = arith.remsi %add3A_541, %rem3A_543 : vector<16xi32>
        %get3A_545 = arith.index_cast %add3A_539 : i32 to index
        %get3A_546 = tpu.vector_load %arg7[%get3A_545] {strides = array<i32>} : memref<1664xi32, #tpu.memory_space<vmem>>, vector<16xi32>,
        %mul3A_547 = arith.constant 100000 : i32
        %mul3A_548 = vector.broadcast %mul3A_547 : i32 to vector<16xi32>
        %mul3A_549 = arith.muli %rem3A_544, %mul3A_548 : vector<16xi32>
        %add3A_550 = arith.addi %get3A_546, %mul3A_549 : vector<16xi32>
        %swap3A_551 = arith.index_cast %scan3A_501 : i32 to index
        %swap3A_552 = arith.constant 32 : index
        %swap3A_553 = tpu.vector_load %arg8[%swap3A_551, %swap3A_552] {strides = array<i32>} : memref<13x128xi32, #tpu.memory_space<vmem>>, vector<16xi32>,
        tpu.vector_store %arg8[%swap3A_551, %swap3A_552], %add3A_550 {strides = array<i32>} : memref<13x128xi32, #tpu.memory_space<vmem>>, vector<16xi32>,
        %mul3A_554 = arith.constant 128 : i32
        %mul3A_555 = arith.muli %scan3A_501, %mul3A_554 : i32
        %add3A_556 = arith.constant 48 : i32
        %add3A_557 = arith.addi %mul3A_555, %add3A_556 : i32
        %add3A_558 = vector.broadcast %add3A_557 : i32 to vector<16xi32>
        %add3A_559 = arith.addi %add3A_558, %iota3A : vector<16xi32>
        %rem3A_560 = arith.constant 26 : i32
        %rem3A_561 = vector.broadcast %rem3A_560 : i32 to vector<16xi32>
        %rem3A_562 = arith.remsi %add3A_559, %rem3A_561 : vector<16xi32>
        %get3A_563 = arith.index_cast %add3A_557 : i32 to index
        %get3A_564 = tpu.vector_load %arg7[%get3A_563] {strides = array<i32>} : memref<1664xi32, #tpu.memory_space<vmem>>, vector<16xi32>,
        %mul3A_565 = arith.constant 100000 : i32
        %mul3A_566 = vector.broadcast %mul3A_565 : i32 to vector<16xi32>
        %mul3A_567 = arith.muli %rem3A_562, %mul3A_566 : vector<16xi32>
        %add3A_568 = arith.addi %get3A_564, %mul3A_567 : vector<16xi32>
        %swap3A_569 = arith.index_cast %scan3A_501 : i32 to index
        %swap3A_570 = arith.constant 48 : index
        %swap3A_571 = tpu.vector_load %arg8[%swap3A_569, %swap3A_570] {strides = array<i32>} : memref<13x128xi32, #tpu.memory_space<vmem>>, vector<16xi32>,
        tpu.vector_store %arg8[%swap3A_569, %swap3A_570], %add3A_568 {strides = array<i32>} : memref<13x128xi32, #tpu.memory_space<vmem>>, vector<16xi32>,
        %mul3A_572 = arith.constant 128 : i32
        %mul3A_573 = arith.muli %scan3A_501, %mul3A_572 : i32
        %add3A_574 = arith.constant 64 : i32
        %add3A_575 = arith.addi %mul3A_573, %add3A_574 : i32
        %add3A_576 = vector.broadcast %add3A_575 : i32 to vector<16xi32>
        %add3A_577 = arith.addi %add3A_576, %iota3A : vector<16xi32>
        %rem3A_578 = arith.constant 26 : i32
        %rem3A_579 = vector.broadcast %rem3A_578 : i32 to vector<16xi32>
        %rem3A_580 = arith.remsi %add3A_577, %rem3A_579 : vector<16xi32>
        %get3A_581 = arith.index_cast %add3A_575 : i32 to index
        %get3A_582 = tpu.vector_load %arg7[%get3A_581] {strides = array<i32>} : memref<1664xi32, #tpu.memory_space<vmem>>, vector<16xi32>,
        %mul3A_583 = arith.constant 100000 : i32
        %mul3A_584 = vector.broadcast %mul3A_583 : i32 to vector<16xi32>
        %mul3A_585 = arith.muli %rem3A_580, %mul3A_584 : vector<16xi32>
        %add3A_586 = arith.addi %get3A_582, %mul3A_585 : vector<16xi32>
        %swap3A_587 = arith.index_cast %scan3A_501 : i32 to index
        %swap3A_588 = arith.constant 64 : index
        %swap3A_589 = tpu.vector_load %arg8[%swap3A_587, %swap3A_588] {strides = array<i32>} : memref<13x128xi32, #tpu.memory_space<vmem>>, vector<16xi32>,
        tpu.vector_store %arg8[%swap3A_587, %swap3A_588], %add3A_586 {strides = array<i32>} : memref<13x128xi32, #tpu.memory_space<vmem>>, vector<16xi32>,
        %mul3A_590 = arith.constant 128 : i32
        %mul3A_591 = arith.muli %scan3A_501, %mul3A_590 : i32
        %add3A_592 = arith.constant 80 : i32
        %add3A_593 = arith.addi %mul3A_591, %add3A_592 : i32
        %add3A_594 = vector.broadcast %add3A_593 : i32 to vector<16xi32>
        %add3A_595 = arith.addi %add3A_594, %iota3A : vector<16xi32>
        %rem3A_596 = arith.constant 26 : i32
        %rem3A_597 = vector.broadcast %rem3A_596 : i32 to vector<16xi32>
        %rem3A_598 = arith.remsi %add3A_595, %rem3A_597 : vector<16xi32>
        %get3A_599 = arith.index_cast %add3A_593 : i32 to index
        %get3A_600 = tpu.vector_load %arg7[%get3A_599] {strides = array<i32>} : memref<1664xi32, #tpu.memory_space<vmem>>, vector<16xi32>,
        %mul3A_601 = arith.constant 100000 : i32
        %mul3A_602 = vector.broadcast %mul3A_601 : i32 to vector<16xi32>
        %mul3A_603 = arith.muli %rem3A_598, %mul3A_602 : vector<16xi32>
        %add3A_604 = arith.addi %get3A_600, %mul3A_603 : vector<16xi32>
        %swap3A_605 = arith.index_cast %scan3A_501 : i32 to index
        %swap3A_606 = arith.constant 80 : index
        %swap3A_607 = tpu.vector_load %arg8[%swap3A_605, %swap3A_606] {strides = array<i32>} : memref<13x128xi32, #tpu.memory_space<vmem>>, vector<16xi32>,
        tpu.vector_store %arg8[%swap3A_605, %swap3A_606], %add3A_604 {strides = array<i32>} : memref<13x128xi32, #tpu.memory_space<vmem>>, vector<16xi32>,
        %mul3A_608 = arith.constant 128 : i32
        %mul3A_609 = arith.muli %scan3A_501, %mul3A_608 : i32
        %add3A_610 = arith.constant 96 : i32
        %add3A_611 = arith.addi %mul3A_609, %add3A_610 : i32
        %add3A_612 = vector.broadcast %add3A_611 : i32 to vector<16xi32>
        %add3A_613 = arith.addi %add3A_612, %iota3A : vector<16xi32>
        %rem3A_614 = arith.constant 26 : i32
        %rem3A_615 = vector.broadcast %rem3A_614 : i32 to vector<16xi32>
        %rem3A_616 = arith.remsi %add3A_613, %rem3A_615 : vector<16xi32>
        %get3A_617 = arith.index_cast %add3A_611 : i32 to index
        %get3A_618 = tpu.vector_load %arg7[%get3A_617] {strides = array<i32>} : memref<1664xi32, #tpu.memory_space<vmem>>, vector<16xi32>,
        %mul3A_619 = arith.constant 100000 : i32
        %mul3A_620 = vector.broadcast %mul3A_619 : i32 to vector<16xi32>
        %mul3A_621 = arith.muli %rem3A_616, %mul3A_620 : vector<16xi32>
        %add3A_622 = arith.addi %get3A_618, %mul3A_621 : vector<16xi32>
        %swap3A_623 = arith.index_cast %scan3A_501 : i32 to index
        %swap3A_624 = arith.constant 96 : index
        %swap3A_625 = tpu.vector_load %arg8[%swap3A_623, %swap3A_624] {strides = array<i32>} : memref<13x128xi32, #tpu.memory_space<vmem>>, vector<16xi32>,
        tpu.vector_store %arg8[%swap3A_623, %swap3A_624], %add3A_622 {strides = array<i32>} : memref<13x128xi32, #tpu.memory_space<vmem>>, vector<16xi32>,
        %mul3A_626 = arith.constant 128 : i32
        %mul3A_627 = arith.muli %scan3A_501, %mul3A_626 : i32
        %add3A_628 = arith.constant 112 : i32
        %add3A_629 = arith.addi %mul3A_627, %add3A_628 : i32
        %add3A_630 = vector.broadcast %add3A_629 : i32 to vector<16xi32>
        %add3A_631 = arith.addi %add3A_630, %iota3A : vector<16xi32>
        %rem3A_632 = arith.constant 26 : i32
        %rem3A_633 = vector.broadcast %rem3A_632 : i32 to vector<16xi32>
        %rem3A_634 = arith.remsi %add3A_631, %rem3A_633 : vector<16xi32>
        %get3A_635 = arith.index_cast %add3A_629 : i32 to index
        %get3A_636 = tpu.vector_load %arg7[%get3A_635] {strides = array<i32>} : memref<1664xi32, #tpu.memory_space<vmem>>, vector<16xi32>,
        %mul3A_637 = arith.constant 100000 : i32
        %mul3A_638 = vector.broadcast %mul3A_637 : i32 to vector<16xi32>
        %mul3A_639 = arith.muli %rem3A_634, %mul3A_638 : vector<16xi32>
        %add3A_640 = arith.addi %get3A_636, %mul3A_639 : vector<16xi32>
        %swap3A_641 = arith.index_cast %scan3A_501 : i32 to index
        %swap3A_642 = arith.constant 112 : index
        %swap3A_643 = tpu.vector_load %arg8[%swap3A_641, %swap3A_642] {strides = array<i32>} : memref<13x128xi32, #tpu.memory_space<vmem>>, vector<16xi32>,
        tpu.vector_store %arg8[%swap3A_641, %swap3A_642], %add3A_640 {strides = array<i32>} : memref<13x128xi32, #tpu.memory_space<vmem>>, vector<16xi32>,
      }
      %scan3A_28 = arith.constant 13 : i32
      %dma_start3A = arith.constant 0 : i32
      %dma_start3A_29 = arith.constant 0 : i32
      %dma_start3A_30 = arith.constant 0 : i32
      %dma_start3A_31 = tpu.memref_slice %arg9[%dma_start3A_29, %dma_start3A_30] : memref<1664x16xf32, #tpu.memory_space<vmem>> -> memref<128x16xf32, #tpu.memory_space<vmem>>
      %dma_start3A_32 = arith.constant 0 : i32
      %dma_start3A_33 = tpu.memref_slice %arg8[%dma_start3A, %dma_start3A_32] : memref<13x128xi32, #tpu.memory_space<vmem>> -> memref<1x128xi32, #tpu.memory_space<vmem>>
      %dma_start3A_34 = tpu.memref_squeeze %dma_start3A_33 : memref<1x128xi32, #tpu.memory_space<vmem>> -> memref<128xi32, #tpu.memory_space<vmem>>
      %dma_start3A_35 = arith.constant 0 : i32
      %dma_start3A_36 = arith.constant 0 : i32
      %dma_start3A_37 = tpu.memref_slice %arg3[%dma_start3A_35, %dma_start3A_36] : memref<2600000x16xf32, #tpu.memory_space<hbm>> -> memref<2600000x16xf32, #tpu.memory_space<hbm>>
      tpu.enqueue_indirect_dma source(%dma_start3A_37 : memref<2600000x16xf32, #tpu.memory_space<hbm>>) target(%dma_start3A_31 : memref<128x16xf32, #tpu.memory_space<vmem>>) offsets(%dma_start3A_34 : memref<128xi32, #tpu.memory_space<vmem>>) semaphore(%arg13 : memref<!tpu.dma_semaphore, #tpu.memory_space<semaphore_mem>>)
      %dma_start3A_38 = arith.constant 0 : i32
      %dma_start3A_39 = arith.constant 0 : i32
      %dma_start3A_40 = tpu.memref_slice %arg10[%dma_start3A_39] : memref<1680xf32, #tpu.memory_space<vmem>> -> memref<128xf32, #tpu.memory_space<vmem>>
      %dma_start3A_41 = arith.constant 0 : i32
      %dma_start3A_42 = tpu.memref_slice %arg8[%dma_start3A_38, %dma_start3A_41] : memref<13x128xi32, #tpu.memory_space<vmem>> -> memref<1x128xi32, #tpu.memory_space<vmem>>
      %dma_start3A_43 = tpu.memref_squeeze %dma_start3A_42 : memref<1x128xi32, #tpu.memory_space<vmem>> -> memref<128xi32, #tpu.memory_space<vmem>>
      %dma_start3A_44 = arith.constant 0 : i32
      %dma_start3A_45 = tpu.memref_slice %arg4[%dma_start3A_44] : memref<2600000xf32, #tpu.memory_space<hbm>> -> memref<2600000xf32, #tpu.memory_space<hbm>>
      tpu.enqueue_indirect_dma source(%dma_start3A_45 : memref<2600000xf32, #tpu.memory_space<hbm>>) target(%dma_start3A_40 : memref<128xf32, #tpu.memory_space<vmem>>) offsets(%dma_start3A_43 : memref<128xi32, #tpu.memory_space<vmem>>) semaphore(%arg13 : memref<!tpu.dma_semaphore, #tpu.memory_space<semaphore_mem>>)
      %dma_start3A_46 = arith.constant 1 : i32
      %dma_start3A_47 = arith.constant 128 : i32
      %dma_start3A_48 = arith.constant 0 : i32
      %dma_start3A_49 = tpu.memref_slice %arg9[%dma_start3A_47, %dma_start3A_48] : memref<1664x16xf32, #tpu.memory_space<vmem>> -> memref<128x16xf32, #tpu.memory_space<vmem>>
      %dma_start3A_50 = arith.constant 0 : i32
      %dma_start3A_51 = tpu.memref_slice %arg8[%dma_start3A_46, %dma_start3A_50] : memref<13x128xi32, #tpu.memory_space<vmem>> -> memref<1x128xi32, #tpu.memory_space<vmem>>
      %dma_start3A_52 = tpu.memref_squeeze %dma_start3A_51 : memref<1x128xi32, #tpu.memory_space<vmem>> -> memref<128xi32, #tpu.memory_space<vmem>>
      %dma_start3A_53 = arith.constant 0 : i32
      %dma_start3A_54 = arith.constant 0 : i32
      %dma_start3A_55 = tpu.memref_slice %arg3[%dma_start3A_53, %dma_start3A_54] : memref<2600000x16xf32, #tpu.memory_space<hbm>> -> memref<2600000x16xf32, #tpu.memory_space<hbm>>
      tpu.enqueue_indirect_dma source(%dma_start3A_55 : memref<2600000x16xf32, #tpu.memory_space<hbm>>) target(%dma_start3A_49 : memref<128x16xf32, #tpu.memory_space<vmem>>) offsets(%dma_start3A_52 : memref<128xi32, #tpu.memory_space<vmem>>) semaphore(%arg13 : memref<!tpu.dma_semaphore, #tpu.memory_space<semaphore_mem>>)
      %dma_start3A_56 = arith.constant 1 : i32
      %dma_start3A_57 = arith.constant 128 : i32
      %dma_start3A_58 = tpu.memref_slice %arg10[%dma_start3A_57] : memref<1680xf32, #tpu.memory_space<vmem>> -> memref<128xf32, #tpu.memory_space<vmem>>
      %dma_start3A_59 = arith.constant 0 : i32
      %dma_start3A_60 = tpu.memref_slice %arg8[%dma_start3A_56, %dma_start3A_59] : memref<13x128xi32, #tpu.memory_space<vmem>> -> memref<1x128xi32, #tpu.memory_space<vmem>>
      %dma_start3A_61 = tpu.memref_squeeze %dma_start3A_60 : memref<1x128xi32, #tpu.memory_space<vmem>> -> memref<128xi32, #tpu.memory_space<vmem>>
      %dma_start3A_62 = arith.constant 0 : i32
      %dma_start3A_63 = tpu.memref_slice %arg4[%dma_start3A_62] : memref<2600000xf32, #tpu.memory_space<hbm>> -> memref<2600000xf32, #tpu.memory_space<hbm>>
      tpu.enqueue_indirect_dma source(%dma_start3A_63 : memref<2600000xf32, #tpu.memory_space<hbm>>) target(%dma_start3A_58 : memref<128xf32, #tpu.memory_space<vmem>>) offsets(%dma_start3A_61 : memref<128xi32, #tpu.memory_space<vmem>>) semaphore(%arg13 : memref<!tpu.dma_semaphore, #tpu.memory_space<semaphore_mem>>)
      %dma_start3A_64 = arith.constant 2 : i32
      %dma_start3A_65 = arith.constant 256 : i32
      %dma_start3A_66 = arith.constant 0 : i32
      %dma_start3A_67 = tpu.memref_slice %arg9[%dma_start3A_65, %dma_start3A_66] : memref<1664x16xf32, #tpu.memory_space<vmem>> -> memref<128x16xf32, #tpu.memory_space<vmem>>
      %dma_start3A_68 = arith.constant 0 : i32
      %dma_start3A_69 = tpu.memref_slice %arg8[%dma_start3A_64, %dma_start3A_68] : memref<13x128xi32, #tpu.memory_space<vmem>> -> memref<1x128xi32, #tpu.memory_space<vmem>>
      %dma_start3A_70 = tpu.memref_squeeze %dma_start3A_69 : memref<1x128xi32, #tpu.memory_space<vmem>> -> memref<128xi32, #tpu.memory_space<vmem>>
      %dma_start3A_71 = arith.constant 0 : i32
      %dma_start3A_72 = arith.constant 0 : i32
      %dma_start3A_73 = tpu.memref_slice %arg3[%dma_start3A_71, %dma_start3A_72] : memref<2600000x16xf32, #tpu.memory_space<hbm>> -> memref<2600000x16xf32, #tpu.memory_space<hbm>>
      tpu.enqueue_indirect_dma source(%dma_start3A_73 : memref<2600000x16xf32, #tpu.memory_space<hbm>>) target(%dma_start3A_67 : memref<128x16xf32, #tpu.memory_space<vmem>>) offsets(%dma_start3A_70 : memref<128xi32, #tpu.memory_space<vmem>>) semaphore(%arg13 : memref<!tpu.dma_semaphore, #tpu.memory_space<semaphore_mem>>)
      %dma_start3A_74 = arith.constant 2 : i32
      %dma_start3A_75 = arith.constant 256 : i32
      %dma_start3A_76 = tpu.memref_slice %arg10[%dma_start3A_75] : memref<1680xf32, #tpu.memory_space<vmem>> -> memref<128xf32, #tpu.memory_space<vmem>>
      %dma_start3A_77 = arith.constant 0 : i32
      %dma_start3A_78 = tpu.memref_slice %arg8[%dma_start3A_74, %dma_start3A_77] : memref<13x128xi32, #tpu.memory_space<vmem>> -> memref<1x128xi32, #tpu.memory_space<vmem>>
      %dma_start3A_79 = tpu.memref_squeeze %dma_start3A_78 : memref<1x128xi32, #tpu.memory_space<vmem>> -> memref<128xi32, #tpu.memory_space<vmem>>
      %dma_start3A_80 = arith.constant 0 : i32
      %dma_start3A_81 = tpu.memref_slice %arg4[%dma_start3A_80] : memref<2600000xf32, #tpu.memory_space<hbm>> -> memref<2600000xf32, #tpu.memory_space<hbm>>
      tpu.enqueue_indirect_dma source(%dma_start3A_81 : memref<2600000xf32, #tpu.memory_space<hbm>>) target(%dma_start3A_76 : memref<128xf32, #tpu.memory_space<vmem>>) offsets(%dma_start3A_79 : memref<128xi32, #tpu.memory_space<vmem>>) semaphore(%arg13 : memref<!tpu.dma_semaphore, #tpu.memory_space<semaphore_mem>>)
      %dma_start3A_82 = arith.constant 3 : i32
      %dma_start3A_83 = arith.constant 384 : i32
      %dma_start3A_84 = arith.constant 0 : i32
      %dma_start3A_85 = tpu.memref_slice %arg9[%dma_start3A_83, %dma_start3A_84] : memref<1664x16xf32, #tpu.memory_space<vmem>> -> memref<128x16xf32, #tpu.memory_space<vmem>>
      %dma_start3A_86 = arith.constant 0 : i32
      %dma_start3A_87 = tpu.memref_slice %arg8[%dma_start3A_82, %dma_start3A_86] : memref<13x128xi32, #tpu.memory_space<vmem>> -> memref<1x128xi32, #tpu.memory_space<vmem>>
      %dma_start3A_88 = tpu.memref_squeeze %dma_start3A_87 : memref<1x128xi32, #tpu.memory_space<vmem>> -> memref<128xi32, #tpu.memory_space<vmem>>
      %dma_start3A_89 = arith.constant 0 : i32
      %dma_start3A_90 = arith.constant 0 : i32
      %dma_start3A_91 = tpu.memref_slice %arg3[%dma_start3A_89, %dma_start3A_90] : memref<2600000x16xf32, #tpu.memory_space<hbm>> -> memref<2600000x16xf32, #tpu.memory_space<hbm>>
      tpu.enqueue_indirect_dma source(%dma_start3A_91 : memref<2600000x16xf32, #tpu.memory_space<hbm>>) target(%dma_start3A_85 : memref<128x16xf32, #tpu.memory_space<vmem>>) offsets(%dma_start3A_88 : memref<128xi32, #tpu.memory_space<vmem>>) semaphore(%arg13 : memref<!tpu.dma_semaphore, #tpu.memory_space<semaphore_mem>>)
      %dma_start3A_92 = arith.constant 3 : i32
      %dma_start3A_93 = arith.constant 384 : i32
      %dma_start3A_94 = tpu.memref_slice %arg10[%dma_start3A_93] : memref<1680xf32, #tpu.memory_space<vmem>> -> memref<128xf32, #tpu.memory_space<vmem>>
      %dma_start3A_95 = arith.constant 0 : i32
      %dma_start3A_96 = tpu.memref_slice %arg8[%dma_start3A_92, %dma_start3A_95] : memref<13x128xi32, #tpu.memory_space<vmem>> -> memref<1x128xi32, #tpu.memory_space<vmem>>
      %dma_start3A_97 = tpu.memref_squeeze %dma_start3A_96 : memref<1x128xi32, #tpu.memory_space<vmem>> -> memref<128xi32, #tpu.memory_space<vmem>>
      %dma_start3A_98 = arith.constant 0 : i32
      %dma_start3A_99 = tpu.memref_slice %arg4[%dma_start3A_98] : memref<2600000xf32, #tpu.memory_space<hbm>> -> memref<2600000xf32, #tpu.memory_space<hbm>>
      tpu.enqueue_indirect_dma source(%dma_start3A_99 : memref<2600000xf32, #tpu.memory_space<hbm>>) target(%dma_start3A_94 : memref<128xf32, #tpu.memory_space<vmem>>) offsets(%dma_start3A_97 : memref<128xi32, #tpu.memory_space<vmem>>) semaphore(%arg13 : memref<!tpu.dma_semaphore, #tpu.memory_space<semaphore_mem>>)
      %dma_start3A_100 = arith.constant 4 : i32
      %dma_start3A_101 = arith.constant 512 : i32
      %dma_start3A_102 = arith.constant 0 : i32
      %dma_start3A_103 = tpu.memref_slice %arg9[%dma_start3A_101, %dma_start3A_102] : memref<1664x16xf32, #tpu.memory_space<vmem>> -> memref<128x16xf32, #tpu.memory_space<vmem>>
      %dma_start3A_104 = arith.constant 0 : i32
      %dma_start3A_105 = tpu.memref_slice %arg8[%dma_start3A_100, %dma_start3A_104] : memref<13x128xi32, #tpu.memory_space<vmem>> -> memref<1x128xi32, #tpu.memory_space<vmem>>
      %dma_start3A_106 = tpu.memref_squeeze %dma_start3A_105 : memref<1x128xi32, #tpu.memory_space<vmem>> -> memref<128xi32, #tpu.memory_space<vmem>>
      %dma_start3A_107 = arith.constant 0 : i32
      %dma_start3A_108 = arith.constant 0 : i32
      %dma_start3A_109 = tpu.memref_slice %arg3[%dma_start3A_107, %dma_start3A_108] : memref<2600000x16xf32, #tpu.memory_space<hbm>> -> memref<2600000x16xf32, #tpu.memory_space<hbm>>
      tpu.enqueue_indirect_dma source(%dma_start3A_109 : memref<2600000x16xf32, #tpu.memory_space<hbm>>) target(%dma_start3A_103 : memref<128x16xf32, #tpu.memory_space<vmem>>) offsets(%dma_start3A_106 : memref<128xi32, #tpu.memory_space<vmem>>) semaphore(%arg13 : memref<!tpu.dma_semaphore, #tpu.memory_space<semaphore_mem>>)
      %dma_start3A_110 = arith.constant 4 : i32
      %dma_start3A_111 = arith.constant 512 : i32
      %dma_start3A_112 = tpu.memref_slice %arg10[%dma_start3A_111] : memref<1680xf32, #tpu.memory_space<vmem>> -> memref<128xf32, #tpu.memory_space<vmem>>
      %dma_start3A_113 = arith.constant 0 : i32
      %dma_start3A_114 = tpu.memref_slice %arg8[%dma_start3A_110, %dma_start3A_113] : memref<13x128xi32, #tpu.memory_space<vmem>> -> memref<1x128xi32, #tpu.memory_space<vmem>>
      %dma_start3A_115 = tpu.memref_squeeze %dma_start3A_114 : memref<1x128xi32, #tpu.memory_space<vmem>> -> memref<128xi32, #tpu.memory_space<vmem>>
      %dma_start3A_116 = arith.constant 0 : i32
      %dma_start3A_117 = tpu.memref_slice %arg4[%dma_start3A_116] : memref<2600000xf32, #tpu.memory_space<hbm>> -> memref<2600000xf32, #tpu.memory_space<hbm>>
      tpu.enqueue_indirect_dma source(%dma_start3A_117 : memref<2600000xf32, #tpu.memory_space<hbm>>) target(%dma_start3A_112 : memref<128xf32, #tpu.memory_space<vmem>>) offsets(%dma_start3A_115 : memref<128xi32, #tpu.memory_space<vmem>>) semaphore(%arg13 : memref<!tpu.dma_semaphore, #tpu.memory_space<semaphore_mem>>)
      %dma_start3A_118 = arith.constant 5 : i32
      %dma_start3A_119 = arith.constant 640 : i32
      %dma_start3A_120 = arith.constant 0 : i32
      %dma_start3A_121 = tpu.memref_slice %arg9[%dma_start3A_119, %dma_start3A_120] : memref<1664x16xf32, #tpu.memory_space<vmem>> -> memref<128x16xf32, #tpu.memory_space<vmem>>
      %dma_start3A_122 = arith.constant 0 : i32
      %dma_start3A_123 = tpu.memref_slice %arg8[%dma_start3A_118, %dma_start3A_122] : memref<13x128xi32, #tpu.memory_space<vmem>> -> memref<1x128xi32, #tpu.memory_space<vmem>>
      %dma_start3A_124 = tpu.memref_squeeze %dma_start3A_123 : memref<1x128xi32, #tpu.memory_space<vmem>> -> memref<128xi32, #tpu.memory_space<vmem>>
      %dma_start3A_125 = arith.constant 0 : i32
      %dma_start3A_126 = arith.constant 0 : i32
      %dma_start3A_127 = tpu.memref_slice %arg3[%dma_start3A_125, %dma_start3A_126] : memref<2600000x16xf32, #tpu.memory_space<hbm>> -> memref<2600000x16xf32, #tpu.memory_space<hbm>>
      tpu.enqueue_indirect_dma source(%dma_start3A_127 : memref<2600000x16xf32, #tpu.memory_space<hbm>>) target(%dma_start3A_121 : memref<128x16xf32, #tpu.memory_space<vmem>>) offsets(%dma_start3A_124 : memref<128xi32, #tpu.memory_space<vmem>>) semaphore(%arg13 : memref<!tpu.dma_semaphore, #tpu.memory_space<semaphore_mem>>)
      %dma_start3A_128 = arith.constant 5 : i32
      %dma_start3A_129 = arith.constant 640 : i32
      %dma_start3A_130 = tpu.memref_slice %arg10[%dma_start3A_129] : memref<1680xf32, #tpu.memory_space<vmem>> -> memref<128xf32, #tpu.memory_space<vmem>>
      %dma_start3A_131 = arith.constant 0 : i32
      %dma_start3A_132 = tpu.memref_slice %arg8[%dma_start3A_128, %dma_start3A_131] : memref<13x128xi32, #tpu.memory_space<vmem>> -> memref<1x128xi32, #tpu.memory_space<vmem>>
      %dma_start3A_133 = tpu.memref_squeeze %dma_start3A_132 : memref<1x128xi32, #tpu.memory_space<vmem>> -> memref<128xi32, #tpu.memory_space<vmem>>
      %dma_start3A_134 = arith.constant 0 : i32
      %dma_start3A_135 = tpu.memref_slice %arg4[%dma_start3A_134] : memref<2600000xf32, #tpu.memory_space<hbm>> -> memref<2600000xf32, #tpu.memory_space<hbm>>
      tpu.enqueue_indirect_dma source(%dma_start3A_135 : memref<2600000xf32, #tpu.memory_space<hbm>>) target(%dma_start3A_130 : memref<128xf32, #tpu.memory_space<vmem>>) offsets(%dma_start3A_133 : memref<128xi32, #tpu.memory_space<vmem>>) semaphore(%arg13 : memref<!tpu.dma_semaphore, #tpu.memory_space<semaphore_mem>>)
      %dma_start3A_136 = arith.constant 6 : i32
      %dma_start3A_137 = arith.constant 768 : i32
      %dma_start3A_138 = arith.constant 0 : i32
      %dma_start3A_139 = tpu.memref_slice %arg9[%dma_start3A_137, %dma_start3A_138] : memref<1664x16xf32, #tpu.memory_space<vmem>> -> memref<128x16xf32, #tpu.memory_space<vmem>>
      %dma_start3A_140 = arith.constant 0 : i32
      %dma_start3A_141 = tpu.memref_slice %arg8[%dma_start3A_136, %dma_start3A_140] : memref<13x128xi32, #tpu.memory_space<vmem>> -> memref<1x128xi32, #tpu.memory_space<vmem>>
      %dma_start3A_142 = tpu.memref_squeeze %dma_start3A_141 : memref<1x128xi32, #tpu.memory_space<vmem>> -> memref<128xi32, #tpu.memory_space<vmem>>
      %dma_start3A_143 = arith.constant 0 : i32
      %dma_start3A_144 = arith.constant 0 : i32
      %dma_start3A_145 = tpu.memref_slice %arg3[%dma_start3A_143, %dma_start3A_144] : memref<2600000x16xf32, #tpu.memory_space<hbm>> -> memref<2600000x16xf32, #tpu.memory_space<hbm>>
      tpu.enqueue_indirect_dma source(%dma_start3A_145 : memref<2600000x16xf32, #tpu.memory_space<hbm>>) target(%dma_start3A_139 : memref<128x16xf32, #tpu.memory_space<vmem>>) offsets(%dma_start3A_142 : memref<128xi32, #tpu.memory_space<vmem>>) semaphore(%arg13 : memref<!tpu.dma_semaphore, #tpu.memory_space<semaphore_mem>>)
      %dma_start3A_146 = arith.constant 6 : i32
      %dma_start3A_147 = arith.constant 768 : i32
      %dma_start3A_148 = tpu.memref_slice %arg10[%dma_start3A_147] : memref<1680xf32, #tpu.memory_space<vmem>> -> memref<128xf32, #tpu.memory_space<vmem>>
      %dma_start3A_149 = arith.constant 0 : i32
      %dma_start3A_150 = tpu.memref_slice %arg8[%dma_start3A_146, %dma_start3A_149] : memref<13x128xi32, #tpu.memory_space<vmem>> -> memref<1x128xi32, #tpu.memory_space<vmem>>
      %dma_start3A_151 = tpu.memref_squeeze %dma_start3A_150 : memref<1x128xi32, #tpu.memory_space<vmem>> -> memref<128xi32, #tpu.memory_space<vmem>>
      %dma_start3A_152 = arith.constant 0 : i32
      %dma_start3A_153 = tpu.memref_slice %arg4[%dma_start3A_152] : memref<2600000xf32, #tpu.memory_space<hbm>> -> memref<2600000xf32, #tpu.memory_space<hbm>>
      tpu.enqueue_indirect_dma source(%dma_start3A_153 : memref<2600000xf32, #tpu.memory_space<hbm>>) target(%dma_start3A_148 : memref<128xf32, #tpu.memory_space<vmem>>) offsets(%dma_start3A_151 : memref<128xi32, #tpu.memory_space<vmem>>) semaphore(%arg13 : memref<!tpu.dma_semaphore, #tpu.memory_space<semaphore_mem>>)
      %dma_start3A_154 = arith.constant 7 : i32
      %dma_start3A_155 = arith.constant 896 : i32
      %dma_start3A_156 = arith.constant 0 : i32
      %dma_start3A_157 = tpu.memref_slice %arg9[%dma_start3A_155, %dma_start3A_156] : memref<1664x16xf32, #tpu.memory_space<vmem>> -> memref<128x16xf32, #tpu.memory_space<vmem>>
      %dma_start3A_158 = arith.constant 0 : i32
      %dma_start3A_159 = tpu.memref_slice %arg8[%dma_start3A_154, %dma_start3A_158] : memref<13x128xi32, #tpu.memory_space<vmem>> -> memref<1x128xi32, #tpu.memory_space<vmem>>
      %dma_start3A_160 = tpu.memref_squeeze %dma_start3A_159 : memref<1x128xi32, #tpu.memory_space<vmem>> -> memref<128xi32, #tpu.memory_space<vmem>>
      %dma_start3A_161 = arith.constant 0 : i32
      %dma_start3A_162 = arith.constant 0 : i32
      %dma_start3A_163 = tpu.memref_slice %arg3[%dma_start3A_161, %dma_start3A_162] : memref<2600000x16xf32, #tpu.memory_space<hbm>> -> memref<2600000x16xf32, #tpu.memory_space<hbm>>
      tpu.enqueue_indirect_dma source(%dma_start3A_163 : memref<2600000x16xf32, #tpu.memory_space<hbm>>) target(%dma_start3A_157 : memref<128x16xf32, #tpu.memory_space<vmem>>) offsets(%dma_start3A_160 : memref<128xi32, #tpu.memory_space<vmem>>) semaphore(%arg13 : memref<!tpu.dma_semaphore, #tpu.memory_space<semaphore_mem>>)
      %dma_start3A_164 = arith.constant 7 : i32
      %dma_start3A_165 = arith.constant 896 : i32
      %dma_start3A_166 = tpu.memref_slice %arg10[%dma_start3A_165] : memref<1680xf32, #tpu.memory_space<vmem>> -> memref<128xf32, #tpu.memory_space<vmem>>
      %dma_start3A_167 = arith.constant 0 : i32
      %dma_start3A_168 = tpu.memref_slice %arg8[%dma_start3A_164, %dma_start3A_167] : memref<13x128xi32, #tpu.memory_space<vmem>> -> memref<1x128xi32, #tpu.memory_space<vmem>>
      %dma_start3A_169 = tpu.memref_squeeze %dma_start3A_168 : memref<1x128xi32, #tpu.memory_space<vmem>> -> memref<128xi32, #tpu.memory_space<vmem>>
      %dma_start3A_170 = arith.constant 0 : i32
      %dma_start3A_171 = tpu.memref_slice %arg4[%dma_start3A_170] : memref<2600000xf32, #tpu.memory_space<hbm>> -> memref<2600000xf32, #tpu.memory_space<hbm>>
      tpu.enqueue_indirect_dma source(%dma_start3A_171 : memref<2600000xf32, #tpu.memory_space<hbm>>) target(%dma_start3A_166 : memref<128xf32, #tpu.memory_space<vmem>>) offsets(%dma_start3A_169 : memref<128xi32, #tpu.memory_space<vmem>>) semaphore(%arg13 : memref<!tpu.dma_semaphore, #tpu.memory_space<semaphore_mem>>)
      %dma_start3A_172 = arith.constant 8 : i32
      %dma_start3A_173 = arith.constant 1024 : i32
      %dma_start3A_174 = arith.constant 0 : i32
      %dma_start3A_175 = tpu.memref_slice %arg9[%dma_start3A_173, %dma_start3A_174] : memref<1664x16xf32, #tpu.memory_space<vmem>> -> memref<128x16xf32, #tpu.memory_space<vmem>>
      %dma_start3A_176 = arith.constant 0 : i32
      %dma_start3A_177 = tpu.memref_slice %arg8[%dma_start3A_172, %dma_start3A_176] : memref<13x128xi32, #tpu.memory_space<vmem>> -> memref<1x128xi32, #tpu.memory_space<vmem>>
      %dma_start3A_178 = tpu.memref_squeeze %dma_start3A_177 : memref<1x128xi32, #tpu.memory_space<vmem>> -> memref<128xi32, #tpu.memory_space<vmem>>
      %dma_start3A_179 = arith.constant 0 : i32
      %dma_start3A_180 = arith.constant 0 : i32
      %dma_start3A_181 = tpu.memref_slice %arg3[%dma_start3A_179, %dma_start3A_180] : memref<2600000x16xf32, #tpu.memory_space<hbm>> -> memref<2600000x16xf32, #tpu.memory_space<hbm>>
      tpu.enqueue_indirect_dma source(%dma_start3A_181 : memref<2600000x16xf32, #tpu.memory_space<hbm>>) target(%dma_start3A_175 : memref<128x16xf32, #tpu.memory_space<vmem>>) offsets(%dma_start3A_178 : memref<128xi32, #tpu.memory_space<vmem>>) semaphore(%arg13 : memref<!tpu.dma_semaphore, #tpu.memory_space<semaphore_mem>>)
      %dma_start3A_182 = arith.constant 8 : i32
      %dma_start3A_183 = arith.constant 1024 : i32
      %dma_start3A_184 = tpu.memref_slice %arg10[%dma_start3A_183] : memref<1680xf32, #tpu.memory_space<vmem>> -> memref<128xf32, #tpu.memory_space<vmem>>
      %dma_start3A_185 = arith.constant 0 : i32
      %dma_start3A_186 = tpu.memref_slice %arg8[%dma_start3A_182, %dma_start3A_185] : memref<13x128xi32, #tpu.memory_space<vmem>> -> memref<1x128xi32, #tpu.memory_space<vmem>>
      %dma_start3A_187 = tpu.memref_squeeze %dma_start3A_186 : memref<1x128xi32, #tpu.memory_space<vmem>> -> memref<128xi32, #tpu.memory_space<vmem>>
      %dma_start3A_188 = arith.constant 0 : i32
      %dma_start3A_189 = tpu.memref_slice %arg4[%dma_start3A_188] : memref<2600000xf32, #tpu.memory_space<hbm>> -> memref<2600000xf32, #tpu.memory_space<hbm>>
      tpu.enqueue_indirect_dma source(%dma_start3A_189 : memref<2600000xf32, #tpu.memory_space<hbm>>) target(%dma_start3A_184 : memref<128xf32, #tpu.memory_space<vmem>>) offsets(%dma_start3A_187 : memref<128xi32, #tpu.memory_space<vmem>>) semaphore(%arg13 : memref<!tpu.dma_semaphore, #tpu.memory_space<semaphore_mem>>)
      %dma_start3A_190 = arith.constant 9 : i32
      %dma_start3A_191 = arith.constant 1152 : i32
      %dma_start3A_192 = arith.constant 0 : i32
      %dma_start3A_193 = tpu.memref_slice %arg9[%dma_start3A_191, %dma_start3A_192] : memref<1664x16xf32, #tpu.memory_space<vmem>> -> memref<128x16xf32, #tpu.memory_space<vmem>>
      %dma_start3A_194 = arith.constant 0 : i32
      %dma_start3A_195 = tpu.memref_slice %arg8[%dma_start3A_190, %dma_start3A_194] : memref<13x128xi32, #tpu.memory_space<vmem>> -> memref<1x128xi32, #tpu.memory_space<vmem>>
      %dma_start3A_196 = tpu.memref_squeeze %dma_start3A_195 : memref<1x128xi32, #tpu.memory_space<vmem>> -> memref<128xi32, #tpu.memory_space<vmem>>
      %dma_start3A_197 = arith.constant 0 : i32
      %dma_start3A_198 = arith.constant 0 : i32
      %dma_start3A_199 = tpu.memref_slice %arg3[%dma_start3A_197, %dma_start3A_198] : memref<2600000x16xf32, #tpu.memory_space<hbm>> -> memref<2600000x16xf32, #tpu.memory_space<hbm>>
      tpu.enqueue_indirect_dma source(%dma_start3A_199 : memref<2600000x16xf32, #tpu.memory_space<hbm>>) target(%dma_start3A_193 : memref<128x16xf32, #tpu.memory_space<vmem>>) offsets(%dma_start3A_196 : memref<128xi32, #tpu.memory_space<vmem>>) semaphore(%arg13 : memref<!tpu.dma_semaphore, #tpu.memory_space<semaphore_mem>>)
      %dma_start3A_200 = arith.constant 9 : i32
      %dma_start3A_201 = arith.constant 1152 : i32
      %dma_start3A_202 = tpu.memref_slice %arg10[%dma_start3A_201] : memref<1680xf32, #tpu.memory_space<vmem>> -> memref<128xf32, #tpu.memory_space<vmem>>
      %dma_start3A_203 = arith.constant 0 : i32
      %dma_start3A_204 = tpu.memref_slice %arg8[%dma_start3A_200, %dma_start3A_203] : memref<13x128xi32, #tpu.memory_space<vmem>> -> memref<1x128xi32, #tpu.memory_space<vmem>>
      %dma_start3A_205 = tpu.memref_squeeze %dma_start3A_204 : memref<1x128xi32, #tpu.memory_space<vmem>> -> memref<128xi32, #tpu.memory_space<vmem>>
      %dma_start3A_206 = arith.constant 0 : i32
      %dma_start3A_207 = tpu.memref_slice %arg4[%dma_start3A_206] : memref<2600000xf32, #tpu.memory_space<hbm>> -> memref<2600000xf32, #tpu.memory_space<hbm>>
      tpu.enqueue_indirect_dma source(%dma_start3A_207 : memref<2600000xf32, #tpu.memory_space<hbm>>) target(%dma_start3A_202 : memref<128xf32, #tpu.memory_space<vmem>>) offsets(%dma_start3A_205 : memref<128xi32, #tpu.memory_space<vmem>>) semaphore(%arg13 : memref<!tpu.dma_semaphore, #tpu.memory_space<semaphore_mem>>)
      %dma_start3A_208 = arith.constant 10 : i32
      %dma_start3A_209 = arith.constant 1280 : i32
      %dma_start3A_210 = arith.constant 0 : i32
      %dma_start3A_211 = tpu.memref_slice %arg9[%dma_start3A_209, %dma_start3A_210] : memref<1664x16xf32, #tpu.memory_space<vmem>> -> memref<128x16xf32, #tpu.memory_space<vmem>>
      %dma_start3A_212 = arith.constant 0 : i32
      %dma_start3A_213 = tpu.memref_slice %arg8[%dma_start3A_208, %dma_start3A_212] : memref<13x128xi32, #tpu.memory_space<vmem>> -> memref<1x128xi32, #tpu.memory_space<vmem>>
      %dma_start3A_214 = tpu.memref_squeeze %dma_start3A_213 : memref<1x128xi32, #tpu.memory_space<vmem>> -> memref<128xi32, #tpu.memory_space<vmem>>
      %dma_start3A_215 = arith.constant 0 : i32
      %dma_start3A_216 = arith.constant 0 : i32
      %dma_start3A_217 = tpu.memref_slice %arg3[%dma_start3A_215, %dma_start3A_216] : memref<2600000x16xf32, #tpu.memory_space<hbm>> -> memref<2600000x16xf32, #tpu.memory_space<hbm>>
      tpu.enqueue_indirect_dma source(%dma_start3A_217 : memref<2600000x16xf32, #tpu.memory_space<hbm>>) target(%dma_start3A_211 : memref<128x16xf32, #tpu.memory_space<vmem>>) offsets(%dma_start3A_214 : memref<128xi32, #tpu.memory_space<vmem>>) semaphore(%arg13 : memref<!tpu.dma_semaphore, #tpu.memory_space<semaphore_mem>>)
      %dma_start3A_218 = arith.constant 10 : i32
      %dma_start3A_219 = arith.constant 1280 : i32
      %dma_start3A_220 = tpu.memref_slice %arg10[%dma_start3A_219] : memref<1680xf32, #tpu.memory_space<vmem>> -> memref<128xf32, #tpu.memory_space<vmem>>
      %dma_start3A_221 = arith.constant 0 : i32
      %dma_start3A_222 = tpu.memref_slice %arg8[%dma_start3A_218, %dma_start3A_221] : memref<13x128xi32, #tpu.memory_space<vmem>> -> memref<1x128xi32, #tpu.memory_space<vmem>>
      %dma_start3A_223 = tpu.memref_squeeze %dma_start3A_222 : memref<1x128xi32, #tpu.memory_space<vmem>> -> memref<128xi32, #tpu.memory_space<vmem>>
      %dma_start3A_224 = arith.constant 0 : i32
      %dma_start3A_225 = tpu.memref_slice %arg4[%dma_start3A_224] : memref<2600000xf32, #tpu.memory_space<hbm>> -> memref<2600000xf32, #tpu.memory_space<hbm>>
      tpu.enqueue_indirect_dma source(%dma_start3A_225 : memref<2600000xf32, #tpu.memory_space<hbm>>) target(%dma_start3A_220 : memref<128xf32, #tpu.memory_space<vmem>>) offsets(%dma_start3A_223 : memref<128xi32, #tpu.memory_space<vmem>>) semaphore(%arg13 : memref<!tpu.dma_semaphore, #tpu.memory_space<semaphore_mem>>)
      %dma_start3A_226 = arith.constant 11 : i32
      %dma_start3A_227 = arith.constant 1408 : i32
      %dma_start3A_228 = arith.constant 0 : i32
      %dma_start3A_229 = tpu.memref_slice %arg9[%dma_start3A_227, %dma_start3A_228] : memref<1664x16xf32, #tpu.memory_space<vmem>> -> memref<128x16xf32, #tpu.memory_space<vmem>>
      %dma_start3A_230 = arith.constant 0 : i32
      %dma_start3A_231 = tpu.memref_slice %arg8[%dma_start3A_226, %dma_start3A_230] : memref<13x128xi32, #tpu.memory_space<vmem>> -> memref<1x128xi32, #tpu.memory_space<vmem>>
      %dma_start3A_232 = tpu.memref_squeeze %dma_start3A_231 : memref<1x128xi32, #tpu.memory_space<vmem>> -> memref<128xi32, #tpu.memory_space<vmem>>
      %dma_start3A_233 = arith.constant 0 : i32
      %dma_start3A_234 = arith.constant 0 : i32
      %dma_start3A_235 = tpu.memref_slice %arg3[%dma_start3A_233, %dma_start3A_234] : memref<2600000x16xf32, #tpu.memory_space<hbm>> -> memref<2600000x16xf32, #tpu.memory_space<hbm>>
      tpu.enqueue_indirect_dma source(%dma_start3A_235 : memref<2600000x16xf32, #tpu.memory_space<hbm>>) target(%dma_start3A_229 : memref<128x16xf32, #tpu.memory_space<vmem>>) offsets(%dma_start3A_232 : memref<128xi32, #tpu.memory_space<vmem>>) semaphore(%arg13 : memref<!tpu.dma_semaphore, #tpu.memory_space<semaphore_mem>>)
      %dma_start3A_236 = arith.constant 11 : i32
      %dma_start3A_237 = arith.constant 1408 : i32
      %dma_start3A_238 = tpu.memref_slice %arg10[%dma_start3A_237] : memref<1680xf32, #tpu.memory_space<vmem>> -> memref<128xf32, #tpu.memory_space<vmem>>
      %dma_start3A_239 = arith.constant 0 : i32
      %dma_start3A_240 = tpu.memref_slice %arg8[%dma_start3A_236, %dma_start3A_239] : memref<13x128xi32, #tpu.memory_space<vmem>> -> memref<1x128xi32, #tpu.memory_space<vmem>>
      %dma_start3A_241 = tpu.memref_squeeze %dma_start3A_240 : memref<1x128xi32, #tpu.memory_space<vmem>> -> memref<128xi32, #tpu.memory_space<vmem>>
      %dma_start3A_242 = arith.constant 0 : i32
      %dma_start3A_243 = tpu.memref_slice %arg4[%dma_start3A_242] : memref<2600000xf32, #tpu.memory_space<hbm>> -> memref<2600000xf32, #tpu.memory_space<hbm>>
      tpu.enqueue_indirect_dma source(%dma_start3A_243 : memref<2600000xf32, #tpu.memory_space<hbm>>) target(%dma_start3A_238 : memref<128xf32, #tpu.memory_space<vmem>>) offsets(%dma_start3A_241 : memref<128xi32, #tpu.memory_space<vmem>>) semaphore(%arg13 : memref<!tpu.dma_semaphore, #tpu.memory_space<semaphore_mem>>)
      %dma_start3A_244 = arith.constant 12 : i32
      %dma_start3A_245 = arith.constant 1536 : i32
      %dma_start3A_246 = arith.constant 0 : i32
      %dma_start3A_247 = tpu.memref_slice %arg9[%dma_start3A_245, %dma_start3A_246] : memref<1664x16xf32, #tpu.memory_space<vmem>> -> memref<128x16xf32, #tpu.memory_space<vmem>>
      %dma_start3A_248 = arith.constant 0 : i32
      %dma_start3A_249 = tpu.memref_slice %arg8[%dma_start3A_244, %dma_start3A_248] : memref<13x128xi32, #tpu.memory_space<vmem>> -> memref<1x128xi32, #tpu.memory_space<vmem>>
      %dma_start3A_250 = tpu.memref_squeeze %dma_start3A_249 : memref<1x128xi32, #tpu.memory_space<vmem>> -> memref<128xi32, #tpu.memory_space<vmem>>
      %dma_start3A_251 = arith.constant 0 : i32
      %dma_start3A_252 = arith.constant 0 : i32
      %dma_start3A_253 = tpu.memref_slice %arg3[%dma_start3A_251, %dma_start3A_252] : memref<2600000x16xf32, #tpu.memory_space<hbm>> -> memref<2600000x16xf32, #tpu.memory_space<hbm>>
      tpu.enqueue_indirect_dma source(%dma_start3A_253 : memref<2600000x16xf32, #tpu.memory_space<hbm>>) target(%dma_start3A_247 : memref<128x16xf32, #tpu.memory_space<vmem>>) offsets(%dma_start3A_250 : memref<128xi32, #tpu.memory_space<vmem>>) semaphore(%arg13 : memref<!tpu.dma_semaphore, #tpu.memory_space<semaphore_mem>>)
      %dma_start3A_254 = arith.constant 12 : i32
      %dma_start3A_255 = arith.constant 1536 : i32
      %dma_start3A_256 = tpu.memref_slice %arg10[%dma_start3A_255] : memref<1680xf32, #tpu.memory_space<vmem>> -> memref<128xf32, #tpu.memory_space<vmem>>
      %dma_start3A_257 = arith.constant 0 : i32
      %dma_start3A_258 = tpu.memref_slice %arg8[%dma_start3A_254, %dma_start3A_257] : memref<13x128xi32, #tpu.memory_space<vmem>> -> memref<1x128xi32, #tpu.memory_space<vmem>>
      %dma_start3A_259 = tpu.memref_squeeze %dma_start3A_258 : memref<1x128xi32, #tpu.memory_space<vmem>> -> memref<128xi32, #tpu.memory_space<vmem>>
      %dma_start3A_260 = arith.constant 0 : i32
      %dma_start3A_261 = tpu.memref_slice %arg4[%dma_start3A_260] : memref<2600000xf32, #tpu.memory_space<hbm>> -> memref<2600000xf32, #tpu.memory_space<hbm>>
      tpu.enqueue_indirect_dma source(%dma_start3A_261 : memref<2600000xf32, #tpu.memory_space<hbm>>) target(%dma_start3A_256 : memref<128xf32, #tpu.memory_space<vmem>>) offsets(%dma_start3A_259 : memref<128xi32, #tpu.memory_space<vmem>>) semaphore(%arg13 : memref<!tpu.dma_semaphore, #tpu.memory_space<semaphore_mem>>)
      %dma_wait3A = arith.constant 0 : i32
      %dma_wait3A_262 = arith.constant 0 : i32
      %dma_wait3A_263 = arith.constant 0 : i32
      %dma_wait3A_264 = tpu.memref_slice %arg9[%dma_wait3A_262, %dma_wait3A_263] : memref<1664x16xf32, #tpu.memory_space<vmem>> -> memref<128x16xf32, #tpu.memory_space<vmem>>
      %dma_wait3A_265 = arith.constant 0 : i32
      %dma_wait3A_266 = tpu.memref_slice %arg8[%dma_wait3A, %dma_wait3A_265] : memref<13x128xi32, #tpu.memory_space<vmem>> -> memref<1x128xi32, #tpu.memory_space<vmem>>
      %dma_wait3A_267 = tpu.memref_squeeze %dma_wait3A_266 : memref<1x128xi32, #tpu.memory_space<vmem>> -> memref<128xi32, #tpu.memory_space<vmem>>
      %dma_wait3A_268 = arith.constant 0 : i32
      %dma_wait3A_269 = arith.constant 0 : i32
      %dma_wait3A_270 = tpu.memref_slice %arg3[%dma_wait3A_268, %dma_wait3A_269] : memref<2600000x16xf32, #tpu.memory_space<hbm>> -> memref<2600000x16xf32, #tpu.memory_space<hbm>>
      tpu.wait_indirect_dma semaphore(%arg13 : memref<!tpu.dma_semaphore, #tpu.memory_space<semaphore_mem>>) src(%dma_wait3A_270 : memref<2600000x16xf32, #tpu.memory_space<hbm>>) dst(%dma_wait3A_264 : memref<128x16xf32, #tpu.memory_space<vmem>>)
      %dma_wait3A_271 = arith.constant 0 : i32
      %dma_wait3A_272 = arith.constant 0 : i32
      %dma_wait3A_273 = tpu.memref_slice %arg10[%dma_wait3A_272] : memref<1680xf32, #tpu.memory_space<vmem>> -> memref<128xf32, #tpu.memory_space<vmem>>
      %dma_wait3A_274 = arith.constant 0 : i32
      %dma_wait3A_275 = tpu.memref_slice %arg8[%dma_wait3A_271, %dma_wait3A_274] : memref<13x128xi32, #tpu.memory_space<vmem>> -> memref<1x128xi32, #tpu.memory_space<vmem>>
      %dma_wait3A_276 = tpu.memref_squeeze %dma_wait3A_275 : memref<1x128xi32, #tpu.memory_space<vmem>> -> memref<128xi32, #tpu.memory_space<vmem>>
      %dma_wait3A_277 = arith.constant 0 : i32
      %dma_wait3A_278 = tpu.memref_slice %arg4[%dma_wait3A_277] : memref<2600000xf32, #tpu.memory_space<hbm>> -> memref<2600000xf32, #tpu.memory_space<hbm>>
      tpu.wait_indirect_dma semaphore(%arg13 : memref<!tpu.dma_semaphore, #tpu.memory_space<semaphore_mem>>) src(%dma_wait3A_278 : memref<2600000xf32, #tpu.memory_space<hbm>>) dst(%dma_wait3A_273 : memref<128xf32, #tpu.memory_space<vmem>>)
      %dma_wait3A_279 = arith.constant 1 : i32
      %dma_wait3A_280 = arith.constant 128 : i32
      %dma_wait3A_281 = arith.constant 0 : i32
      %dma_wait3A_282 = tpu.memref_slice %arg9[%dma_wait3A_280, %dma_wait3A_281] : memref<1664x16xf32, #tpu.memory_space<vmem>> -> memref<128x16xf32, #tpu.memory_space<vmem>>
      %dma_wait3A_283 = arith.constant 0 : i32
      %dma_wait3A_284 = tpu.memref_slice %arg8[%dma_wait3A_279, %dma_wait3A_283] : memref<13x128xi32, #tpu.memory_space<vmem>> -> memref<1x128xi32, #tpu.memory_space<vmem>>
      %dma_wait3A_285 = tpu.memref_squeeze %dma_wait3A_284 : memref<1x128xi32, #tpu.memory_space<vmem>> -> memref<128xi32, #tpu.memory_space<vmem>>
      %dma_wait3A_286 = arith.constant 0 : i32
      %dma_wait3A_287 = arith.constant 0 : i32
      %dma_wait3A_288 = tpu.memref_slice %arg3[%dma_wait3A_286, %dma_wait3A_287] : memref<2600000x16xf32, #tpu.memory_space<hbm>> -> memref<2600000x16xf32, #tpu.memory_space<hbm>>
      tpu.wait_indirect_dma semaphore(%arg13 : memref<!tpu.dma_semaphore, #tpu.memory_space<semaphore_mem>>) src(%dma_wait3A_288 : memref<2600000x16xf32, #tpu.memory_space<hbm>>) dst(%dma_wait3A_282 : memref<128x16xf32, #tpu.memory_space<vmem>>)
      %dma_wait3A_289 = arith.constant 1 : i32
      %dma_wait3A_290 = arith.constant 128 : i32
      %dma_wait3A_291 = tpu.memref_slice %arg10[%dma_wait3A_290] : memref<1680xf32, #tpu.memory_space<vmem>> -> memref<128xf32, #tpu.memory_space<vmem>>
      %dma_wait3A_292 = arith.constant 0 : i32
      %dma_wait3A_293 = tpu.memref_slice %arg8[%dma_wait3A_289, %dma_wait3A_292] : memref<13x128xi32, #tpu.memory_space<vmem>> -> memref<1x128xi32, #tpu.memory_space<vmem>>
      %dma_wait3A_294 = tpu.memref_squeeze %dma_wait3A_293 : memref<1x128xi32, #tpu.memory_space<vmem>> -> memref<128xi32, #tpu.memory_space<vmem>>
      %dma_wait3A_295 = arith.constant 0 : i32
      %dma_wait3A_296 = tpu.memref_slice %arg4[%dma_wait3A_295] : memref<2600000xf32, #tpu.memory_space<hbm>> -> memref<2600000xf32, #tpu.memory_space<hbm>>
      tpu.wait_indirect_dma semaphore(%arg13 : memref<!tpu.dma_semaphore, #tpu.memory_space<semaphore_mem>>) src(%dma_wait3A_296 : memref<2600000xf32, #tpu.memory_space<hbm>>) dst(%dma_wait3A_291 : memref<128xf32, #tpu.memory_space<vmem>>)
      %dma_wait3A_297 = arith.constant 2 : i32
      %dma_wait3A_298 = arith.constant 256 : i32
      %dma_wait3A_299 = arith.constant 0 : i32
      %dma_wait3A_300 = tpu.memref_slice %arg9[%dma_wait3A_298, %dma_wait3A_299] : memref<1664x16xf32, #tpu.memory_space<vmem>> -> memref<128x16xf32, #tpu.memory_space<vmem>>
      %dma_wait3A_301 = arith.constant 0 : i32
      %dma_wait3A_302 = tpu.memref_slice %arg8[%dma_wait3A_297, %dma_wait3A_301] : memref<13x128xi32, #tpu.memory_space<vmem>> -> memref<1x128xi32, #tpu.memory_space<vmem>>
      %dma_wait3A_303 = tpu.memref_squeeze %dma_wait3A_302 : memref<1x128xi32, #tpu.memory_space<vmem>> -> memref<128xi32, #tpu.memory_space<vmem>>
      %dma_wait3A_304 = arith.constant 0 : i32
      %dma_wait3A_305 = arith.constant 0 : i32
      %dma_wait3A_306 = tpu.memref_slice %arg3[%dma_wait3A_304, %dma_wait3A_305] : memref<2600000x16xf32, #tpu.memory_space<hbm>> -> memref<2600000x16xf32, #tpu.memory_space<hbm>>
      tpu.wait_indirect_dma semaphore(%arg13 : memref<!tpu.dma_semaphore, #tpu.memory_space<semaphore_mem>>) src(%dma_wait3A_306 : memref<2600000x16xf32, #tpu.memory_space<hbm>>) dst(%dma_wait3A_300 : memref<128x16xf32, #tpu.memory_space<vmem>>)
      %dma_wait3A_307 = arith.constant 2 : i32
      %dma_wait3A_308 = arith.constant 256 : i32
      %dma_wait3A_309 = tpu.memref_slice %arg10[%dma_wait3A_308] : memref<1680xf32, #tpu.memory_space<vmem>> -> memref<128xf32, #tpu.memory_space<vmem>>
      %dma_wait3A_310 = arith.constant 0 : i32
      %dma_wait3A_311 = tpu.memref_slice %arg8[%dma_wait3A_307, %dma_wait3A_310] : memref<13x128xi32, #tpu.memory_space<vmem>> -> memref<1x128xi32, #tpu.memory_space<vmem>>
      %dma_wait3A_312 = tpu.memref_squeeze %dma_wait3A_311 : memref<1x128xi32, #tpu.memory_space<vmem>> -> memref<128xi32, #tpu.memory_space<vmem>>
      %dma_wait3A_313 = arith.constant 0 : i32
      %dma_wait3A_314 = tpu.memref_slice %arg4[%dma_wait3A_313] : memref<2600000xf32, #tpu.memory_space<hbm>> -> memref<2600000xf32, #tpu.memory_space<hbm>>
      tpu.wait_indirect_dma semaphore(%arg13 : memref<!tpu.dma_semaphore, #tpu.memory_space<semaphore_mem>>) src(%dma_wait3A_314 : memref<2600000xf32, #tpu.memory_space<hbm>>) dst(%dma_wait3A_309 : memref<128xf32, #tpu.memory_space<vmem>>)
      %dma_wait3A_315 = arith.constant 3 : i32
      %dma_wait3A_316 = arith.constant 384 : i32
      %dma_wait3A_317 = arith.constant 0 : i32
      %dma_wait3A_318 = tpu.memref_slice %arg9[%dma_wait3A_316, %dma_wait3A_317] : memref<1664x16xf32, #tpu.memory_space<vmem>> -> memref<128x16xf32, #tpu.memory_space<vmem>>
      %dma_wait3A_319 = arith.constant 0 : i32
      %dma_wait3A_320 = tpu.memref_slice %arg8[%dma_wait3A_315, %dma_wait3A_319] : memref<13x128xi32, #tpu.memory_space<vmem>> -> memref<1x128xi32, #tpu.memory_space<vmem>>
      %dma_wait3A_321 = tpu.memref_squeeze %dma_wait3A_320 : memref<1x128xi32, #tpu.memory_space<vmem>> -> memref<128xi32, #tpu.memory_space<vmem>>
      %dma_wait3A_322 = arith.constant 0 : i32
      %dma_wait3A_323 = arith.constant 0 : i32
      %dma_wait3A_324 = tpu.memref_slice %arg3[%dma_wait3A_322, %dma_wait3A_323] : memref<2600000x16xf32, #tpu.memory_space<hbm>> -> memref<2600000x16xf32, #tpu.memory_space<hbm>>
      tpu.wait_indirect_dma semaphore(%arg13 : memref<!tpu.dma_semaphore, #tpu.memory_space<semaphore_mem>>) src(%dma_wait3A_324 : memref<2600000x16xf32, #tpu.memory_space<hbm>>) dst(%dma_wait3A_318 : memref<128x16xf32, #tpu.memory_space<vmem>>)
      %dma_wait3A_325 = arith.constant 3 : i32
      %dma_wait3A_326 = arith.constant 384 : i32
      %dma_wait3A_327 = tpu.memref_slice %arg10[%dma_wait3A_326] : memref<1680xf32, #tpu.memory_space<vmem>> -> memref<128xf32, #tpu.memory_space<vmem>>
      %dma_wait3A_328 = arith.constant 0 : i32
      %dma_wait3A_329 = tpu.memref_slice %arg8[%dma_wait3A_325, %dma_wait3A_328] : memref<13x128xi32, #tpu.memory_space<vmem>> -> memref<1x128xi32, #tpu.memory_space<vmem>>
      %dma_wait3A_330 = tpu.memref_squeeze %dma_wait3A_329 : memref<1x128xi32, #tpu.memory_space<vmem>> -> memref<128xi32, #tpu.memory_space<vmem>>
      %dma_wait3A_331 = arith.constant 0 : i32
      %dma_wait3A_332 = tpu.memref_slice %arg4[%dma_wait3A_331] : memref<2600000xf32, #tpu.memory_space<hbm>> -> memref<2600000xf32, #tpu.memory_space<hbm>>
      tpu.wait_indirect_dma semaphore(%arg13 : memref<!tpu.dma_semaphore, #tpu.memory_space<semaphore_mem>>) src(%dma_wait3A_332 : memref<2600000xf32, #tpu.memory_space<hbm>>) dst(%dma_wait3A_327 : memref<128xf32, #tpu.memory_space<vmem>>)
      %dma_wait3A_333 = arith.constant 4 : i32
      %dma_wait3A_334 = arith.constant 512 : i32
      %dma_wait3A_335 = arith.constant 0 : i32
      %dma_wait3A_336 = tpu.memref_slice %arg9[%dma_wait3A_334, %dma_wait3A_335] : memref<1664x16xf32, #tpu.memory_space<vmem>> -> memref<128x16xf32, #tpu.memory_space<vmem>>
      %dma_wait3A_337 = arith.constant 0 : i32
      %dma_wait3A_338 = tpu.memref_slice %arg8[%dma_wait3A_333, %dma_wait3A_337] : memref<13x128xi32, #tpu.memory_space<vmem>> -> memref<1x128xi32, #tpu.memory_space<vmem>>
      %dma_wait3A_339 = tpu.memref_squeeze %dma_wait3A_338 : memref<1x128xi32, #tpu.memory_space<vmem>> -> memref<128xi32, #tpu.memory_space<vmem>>
      %dma_wait3A_340 = arith.constant 0 : i32
      %dma_wait3A_341 = arith.constant 0 : i32
      %dma_wait3A_342 = tpu.memref_slice %arg3[%dma_wait3A_340, %dma_wait3A_341] : memref<2600000x16xf32, #tpu.memory_space<hbm>> -> memref<2600000x16xf32, #tpu.memory_space<hbm>>
      tpu.wait_indirect_dma semaphore(%arg13 : memref<!tpu.dma_semaphore, #tpu.memory_space<semaphore_mem>>) src(%dma_wait3A_342 : memref<2600000x16xf32, #tpu.memory_space<hbm>>) dst(%dma_wait3A_336 : memref<128x16xf32, #tpu.memory_space<vmem>>)
      %dma_wait3A_343 = arith.constant 4 : i32
      %dma_wait3A_344 = arith.constant 512 : i32
      %dma_wait3A_345 = tpu.memref_slice %arg10[%dma_wait3A_344] : memref<1680xf32, #tpu.memory_space<vmem>> -> memref<128xf32, #tpu.memory_space<vmem>>
      %dma_wait3A_346 = arith.constant 0 : i32
      %dma_wait3A_347 = tpu.memref_slice %arg8[%dma_wait3A_343, %dma_wait3A_346] : memref<13x128xi32, #tpu.memory_space<vmem>> -> memref<1x128xi32, #tpu.memory_space<vmem>>
      %dma_wait3A_348 = tpu.memref_squeeze %dma_wait3A_347 : memref<1x128xi32, #tpu.memory_space<vmem>> -> memref<128xi32, #tpu.memory_space<vmem>>
      %dma_wait3A_349 = arith.constant 0 : i32
      %dma_wait3A_350 = tpu.memref_slice %arg4[%dma_wait3A_349] : memref<2600000xf32, #tpu.memory_space<hbm>> -> memref<2600000xf32, #tpu.memory_space<hbm>>
      tpu.wait_indirect_dma semaphore(%arg13 : memref<!tpu.dma_semaphore, #tpu.memory_space<semaphore_mem>>) src(%dma_wait3A_350 : memref<2600000xf32, #tpu.memory_space<hbm>>) dst(%dma_wait3A_345 : memref<128xf32, #tpu.memory_space<vmem>>)
      %dma_wait3A_351 = arith.constant 5 : i32
      %dma_wait3A_352 = arith.constant 640 : i32
      %dma_wait3A_353 = arith.constant 0 : i32
      %dma_wait3A_354 = tpu.memref_slice %arg9[%dma_wait3A_352, %dma_wait3A_353] : memref<1664x16xf32, #tpu.memory_space<vmem>> -> memref<128x16xf32, #tpu.memory_space<vmem>>
      %dma_wait3A_355 = arith.constant 0 : i32
      %dma_wait3A_356 = tpu.memref_slice %arg8[%dma_wait3A_351, %dma_wait3A_355] : memref<13x128xi32, #tpu.memory_space<vmem>> -> memref<1x128xi32, #tpu.memory_space<vmem>>
      %dma_wait3A_357 = tpu.memref_squeeze %dma_wait3A_356 : memref<1x128xi32, #tpu.memory_space<vmem>> -> memref<128xi32, #tpu.memory_space<vmem>>
      %dma_wait3A_358 = arith.constant 0 : i32
      %dma_wait3A_359 = arith.constant 0 : i32
      %dma_wait3A_360 = tpu.memref_slice %arg3[%dma_wait3A_358, %dma_wait3A_359] : memref<2600000x16xf32, #tpu.memory_space<hbm>> -> memref<2600000x16xf32, #tpu.memory_space<hbm>>
      tpu.wait_indirect_dma semaphore(%arg13 : memref<!tpu.dma_semaphore, #tpu.memory_space<semaphore_mem>>) src(%dma_wait3A_360 : memref<2600000x16xf32, #tpu.memory_space<hbm>>) dst(%dma_wait3A_354 : memref<128x16xf32, #tpu.memory_space<vmem>>)
      %dma_wait3A_361 = arith.constant 5 : i32
      %dma_wait3A_362 = arith.constant 640 : i32
      %dma_wait3A_363 = tpu.memref_slice %arg10[%dma_wait3A_362] : memref<1680xf32, #tpu.memory_space<vmem>> -> memref<128xf32, #tpu.memory_space<vmem>>
      %dma_wait3A_364 = arith.constant 0 : i32
      %dma_wait3A_365 = tpu.memref_slice %arg8[%dma_wait3A_361, %dma_wait3A_364] : memref<13x128xi32, #tpu.memory_space<vmem>> -> memref<1x128xi32, #tpu.memory_space<vmem>>
      %dma_wait3A_366 = tpu.memref_squeeze %dma_wait3A_365 : memref<1x128xi32, #tpu.memory_space<vmem>> -> memref<128xi32, #tpu.memory_space<vmem>>
      %dma_wait3A_367 = arith.constant 0 : i32
      %dma_wait3A_368 = tpu.memref_slice %arg4[%dma_wait3A_367] : memref<2600000xf32, #tpu.memory_space<hbm>> -> memref<2600000xf32, #tpu.memory_space<hbm>>
      tpu.wait_indirect_dma semaphore(%arg13 : memref<!tpu.dma_semaphore, #tpu.memory_space<semaphore_mem>>) src(%dma_wait3A_368 : memref<2600000xf32, #tpu.memory_space<hbm>>) dst(%dma_wait3A_363 : memref<128xf32, #tpu.memory_space<vmem>>)
      %dma_wait3A_369 = arith.constant 6 : i32
      %dma_wait3A_370 = arith.constant 768 : i32
      %dma_wait3A_371 = arith.constant 0 : i32
      %dma_wait3A_372 = tpu.memref_slice %arg9[%dma_wait3A_370, %dma_wait3A_371] : memref<1664x16xf32, #tpu.memory_space<vmem>> -> memref<128x16xf32, #tpu.memory_space<vmem>>
      %dma_wait3A_373 = arith.constant 0 : i32
      %dma_wait3A_374 = tpu.memref_slice %arg8[%dma_wait3A_369, %dma_wait3A_373] : memref<13x128xi32, #tpu.memory_space<vmem>> -> memref<1x128xi32, #tpu.memory_space<vmem>>
      %dma_wait3A_375 = tpu.memref_squeeze %dma_wait3A_374 : memref<1x128xi32, #tpu.memory_space<vmem>> -> memref<128xi32, #tpu.memory_space<vmem>>
      %dma_wait3A_376 = arith.constant 0 : i32
      %dma_wait3A_377 = arith.constant 0 : i32
      %dma_wait3A_378 = tpu.memref_slice %arg3[%dma_wait3A_376, %dma_wait3A_377] : memref<2600000x16xf32, #tpu.memory_space<hbm>> -> memref<2600000x16xf32, #tpu.memory_space<hbm>>
      tpu.wait_indirect_dma semaphore(%arg13 : memref<!tpu.dma_semaphore, #tpu.memory_space<semaphore_mem>>) src(%dma_wait3A_378 : memref<2600000x16xf32, #tpu.memory_space<hbm>>) dst(%dma_wait3A_372 : memref<128x16xf32, #tpu.memory_space<vmem>>)
      %dma_wait3A_379 = arith.constant 6 : i32
      %dma_wait3A_380 = arith.constant 768 : i32
      %dma_wait3A_381 = tpu.memref_slice %arg10[%dma_wait3A_380] : memref<1680xf32, #tpu.memory_space<vmem>> -> memref<128xf32, #tpu.memory_space<vmem>>
      %dma_wait3A_382 = arith.constant 0 : i32
      %dma_wait3A_383 = tpu.memref_slice %arg8[%dma_wait3A_379, %dma_wait3A_382] : memref<13x128xi32, #tpu.memory_space<vmem>> -> memref<1x128xi32, #tpu.memory_space<vmem>>
      %dma_wait3A_384 = tpu.memref_squeeze %dma_wait3A_383 : memref<1x128xi32, #tpu.memory_space<vmem>> -> memref<128xi32, #tpu.memory_space<vmem>>
      %dma_wait3A_385 = arith.constant 0 : i32
      %dma_wait3A_386 = tpu.memref_slice %arg4[%dma_wait3A_385] : memref<2600000xf32, #tpu.memory_space<hbm>> -> memref<2600000xf32, #tpu.memory_space<hbm>>
      tpu.wait_indirect_dma semaphore(%arg13 : memref<!tpu.dma_semaphore, #tpu.memory_space<semaphore_mem>>) src(%dma_wait3A_386 : memref<2600000xf32, #tpu.memory_space<hbm>>) dst(%dma_wait3A_381 : memref<128xf32, #tpu.memory_space<vmem>>)
      %dma_wait3A_387 = arith.constant 7 : i32
      %dma_wait3A_388 = arith.constant 896 : i32
      %dma_wait3A_389 = arith.constant 0 : i32
      %dma_wait3A_390 = tpu.memref_slice %arg9[%dma_wait3A_388, %dma_wait3A_389] : memref<1664x16xf32, #tpu.memory_space<vmem>> -> memref<128x16xf32, #tpu.memory_space<vmem>>
      %dma_wait3A_391 = arith.constant 0 : i32
      %dma_wait3A_392 = tpu.memref_slice %arg8[%dma_wait3A_387, %dma_wait3A_391] : memref<13x128xi32, #tpu.memory_space<vmem>> -> memref<1x128xi32, #tpu.memory_space<vmem>>
      %dma_wait3A_393 = tpu.memref_squeeze %dma_wait3A_392 : memref<1x128xi32, #tpu.memory_space<vmem>> -> memref<128xi32, #tpu.memory_space<vmem>>
      %dma_wait3A_394 = arith.constant 0 : i32
      %dma_wait3A_395 = arith.constant 0 : i32
      %dma_wait3A_396 = tpu.memref_slice %arg3[%dma_wait3A_394, %dma_wait3A_395] : memref<2600000x16xf32, #tpu.memory_space<hbm>> -> memref<2600000x16xf32, #tpu.memory_space<hbm>>
      tpu.wait_indirect_dma semaphore(%arg13 : memref<!tpu.dma_semaphore, #tpu.memory_space<semaphore_mem>>) src(%dma_wait3A_396 : memref<2600000x16xf32, #tpu.memory_space<hbm>>) dst(%dma_wait3A_390 : memref<128x16xf32, #tpu.memory_space<vmem>>)
      %dma_wait3A_397 = arith.constant 7 : i32
      %dma_wait3A_398 = arith.constant 896 : i32
      %dma_wait3A_399 = tpu.memref_slice %arg10[%dma_wait3A_398] : memref<1680xf32, #tpu.memory_space<vmem>> -> memref<128xf32, #tpu.memory_space<vmem>>
      %dma_wait3A_400 = arith.constant 0 : i32
      %dma_wait3A_401 = tpu.memref_slice %arg8[%dma_wait3A_397, %dma_wait3A_400] : memref<13x128xi32, #tpu.memory_space<vmem>> -> memref<1x128xi32, #tpu.memory_space<vmem>>
      %dma_wait3A_402 = tpu.memref_squeeze %dma_wait3A_401 : memref<1x128xi32, #tpu.memory_space<vmem>> -> memref<128xi32, #tpu.memory_space<vmem>>
      %dma_wait3A_403 = arith.constant 0 : i32
      %dma_wait3A_404 = tpu.memref_slice %arg4[%dma_wait3A_403] : memref<2600000xf32, #tpu.memory_space<hbm>> -> memref<2600000xf32, #tpu.memory_space<hbm>>
      tpu.wait_indirect_dma semaphore(%arg13 : memref<!tpu.dma_semaphore, #tpu.memory_space<semaphore_mem>>) src(%dma_wait3A_404 : memref<2600000xf32, #tpu.memory_space<hbm>>) dst(%dma_wait3A_399 : memref<128xf32, #tpu.memory_space<vmem>>)
      %dma_wait3A_405 = arith.constant 8 : i32
      %dma_wait3A_406 = arith.constant 1024 : i32
      %dma_wait3A_407 = arith.constant 0 : i32
      %dma_wait3A_408 = tpu.memref_slice %arg9[%dma_wait3A_406, %dma_wait3A_407] : memref<1664x16xf32, #tpu.memory_space<vmem>> -> memref<128x16xf32, #tpu.memory_space<vmem>>
      %dma_wait3A_409 = arith.constant 0 : i32
      %dma_wait3A_410 = tpu.memref_slice %arg8[%dma_wait3A_405, %dma_wait3A_409] : memref<13x128xi32, #tpu.memory_space<vmem>> -> memref<1x128xi32, #tpu.memory_space<vmem>>
      %dma_wait3A_411 = tpu.memref_squeeze %dma_wait3A_410 : memref<1x128xi32, #tpu.memory_space<vmem>> -> memref<128xi32, #tpu.memory_space<vmem>>
      %dma_wait3A_412 = arith.constant 0 : i32
      %dma_wait3A_413 = arith.constant 0 : i32
      %dma_wait3A_414 = tpu.memref_slice %arg3[%dma_wait3A_412, %dma_wait3A_413] : memref<2600000x16xf32, #tpu.memory_space<hbm>> -> memref<2600000x16xf32, #tpu.memory_space<hbm>>
      tpu.wait_indirect_dma semaphore(%arg13 : memref<!tpu.dma_semaphore, #tpu.memory_space<semaphore_mem>>) src(%dma_wait3A_414 : memref<2600000x16xf32, #tpu.memory_space<hbm>>) dst(%dma_wait3A_408 : memref<128x16xf32, #tpu.memory_space<vmem>>)
      %dma_wait3A_415 = arith.constant 8 : i32
      %dma_wait3A_416 = arith.constant 1024 : i32
      %dma_wait3A_417 = tpu.memref_slice %arg10[%dma_wait3A_416] : memref<1680xf32, #tpu.memory_space<vmem>> -> memref<128xf32, #tpu.memory_space<vmem>>
      %dma_wait3A_418 = arith.constant 0 : i32
      %dma_wait3A_419 = tpu.memref_slice %arg8[%dma_wait3A_415, %dma_wait3A_418] : memref<13x128xi32, #tpu.memory_space<vmem>> -> memref<1x128xi32, #tpu.memory_space<vmem>>
      %dma_wait3A_420 = tpu.memref_squeeze %dma_wait3A_419 : memref<1x128xi32, #tpu.memory_space<vmem>> -> memref<128xi32, #tpu.memory_space<vmem>>
      %dma_wait3A_421 = arith.constant 0 : i32
      %dma_wait3A_422 = tpu.memref_slice %arg4[%dma_wait3A_421] : memref<2600000xf32, #tpu.memory_space<hbm>> -> memref<2600000xf32, #tpu.memory_space<hbm>>
      tpu.wait_indirect_dma semaphore(%arg13 : memref<!tpu.dma_semaphore, #tpu.memory_space<semaphore_mem>>) src(%dma_wait3A_422 : memref<2600000xf32, #tpu.memory_space<hbm>>) dst(%dma_wait3A_417 : memref<128xf32, #tpu.memory_space<vmem>>)
      %dma_wait3A_423 = arith.constant 9 : i32
      %dma_wait3A_424 = arith.constant 1152 : i32
      %dma_wait3A_425 = arith.constant 0 : i32
      %dma_wait3A_426 = tpu.memref_slice %arg9[%dma_wait3A_424, %dma_wait3A_425] : memref<1664x16xf32, #tpu.memory_space<vmem>> -> memref<128x16xf32, #tpu.memory_space<vmem>>
      %dma_wait3A_427 = arith.constant 0 : i32
      %dma_wait3A_428 = tpu.memref_slice %arg8[%dma_wait3A_423, %dma_wait3A_427] : memref<13x128xi32, #tpu.memory_space<vmem>> -> memref<1x128xi32, #tpu.memory_space<vmem>>
      %dma_wait3A_429 = tpu.memref_squeeze %dma_wait3A_428 : memref<1x128xi32, #tpu.memory_space<vmem>> -> memref<128xi32, #tpu.memory_space<vmem>>
      %dma_wait3A_430 = arith.constant 0 : i32
      %dma_wait3A_431 = arith.constant 0 : i32
      %dma_wait3A_432 = tpu.memref_slice %arg3[%dma_wait3A_430, %dma_wait3A_431] : memref<2600000x16xf32, #tpu.memory_space<hbm>> -> memref<2600000x16xf32, #tpu.memory_space<hbm>>
      tpu.wait_indirect_dma semaphore(%arg13 : memref<!tpu.dma_semaphore, #tpu.memory_space<semaphore_mem>>) src(%dma_wait3A_432 : memref<2600000x16xf32, #tpu.memory_space<hbm>>) dst(%dma_wait3A_426 : memref<128x16xf32, #tpu.memory_space<vmem>>)
      %dma_wait3A_433 = arith.constant 9 : i32
      %dma_wait3A_434 = arith.constant 1152 : i32
      %dma_wait3A_435 = tpu.memref_slice %arg10[%dma_wait3A_434] : memref<1680xf32, #tpu.memory_space<vmem>> -> memref<128xf32, #tpu.memory_space<vmem>>
      %dma_wait3A_436 = arith.constant 0 : i32
      %dma_wait3A_437 = tpu.memref_slice %arg8[%dma_wait3A_433, %dma_wait3A_436] : memref<13x128xi32, #tpu.memory_space<vmem>> -> memref<1x128xi32, #tpu.memory_space<vmem>>
      %dma_wait3A_438 = tpu.memref_squeeze %dma_wait3A_437 : memref<1x128xi32, #tpu.memory_space<vmem>> -> memref<128xi32, #tpu.memory_space<vmem>>
      %dma_wait3A_439 = arith.constant 0 : i32
      %dma_wait3A_440 = tpu.memref_slice %arg4[%dma_wait3A_439] : memref<2600000xf32, #tpu.memory_space<hbm>> -> memref<2600000xf32, #tpu.memory_space<hbm>>
      tpu.wait_indirect_dma semaphore(%arg13 : memref<!tpu.dma_semaphore, #tpu.memory_space<semaphore_mem>>) src(%dma_wait3A_440 : memref<2600000xf32, #tpu.memory_space<hbm>>) dst(%dma_wait3A_435 : memref<128xf32, #tpu.memory_space<vmem>>)
      %dma_wait3A_441 = arith.constant 10 : i32
      %dma_wait3A_442 = arith.constant 1280 : i32
      %dma_wait3A_443 = arith.constant 0 : i32
      %dma_wait3A_444 = tpu.memref_slice %arg9[%dma_wait3A_442, %dma_wait3A_443] : memref<1664x16xf32, #tpu.memory_space<vmem>> -> memref<128x16xf32, #tpu.memory_space<vmem>>
      %dma_wait3A_445 = arith.constant 0 : i32
      %dma_wait3A_446 = tpu.memref_slice %arg8[%dma_wait3A_441, %dma_wait3A_445] : memref<13x128xi32, #tpu.memory_space<vmem>> -> memref<1x128xi32, #tpu.memory_space<vmem>>
      %dma_wait3A_447 = tpu.memref_squeeze %dma_wait3A_446 : memref<1x128xi32, #tpu.memory_space<vmem>> -> memref<128xi32, #tpu.memory_space<vmem>>
      %dma_wait3A_448 = arith.constant 0 : i32
      %dma_wait3A_449 = arith.constant 0 : i32
      %dma_wait3A_450 = tpu.memref_slice %arg3[%dma_wait3A_448, %dma_wait3A_449] : memref<2600000x16xf32, #tpu.memory_space<hbm>> -> memref<2600000x16xf32, #tpu.memory_space<hbm>>
      tpu.wait_indirect_dma semaphore(%arg13 : memref<!tpu.dma_semaphore, #tpu.memory_space<semaphore_mem>>) src(%dma_wait3A_450 : memref<2600000x16xf32, #tpu.memory_space<hbm>>) dst(%dma_wait3A_444 : memref<128x16xf32, #tpu.memory_space<vmem>>)
      %dma_wait3A_451 = arith.constant 10 : i32
      %dma_wait3A_452 = arith.constant 1280 : i32
      %dma_wait3A_453 = tpu.memref_slice %arg10[%dma_wait3A_452] : memref<1680xf32, #tpu.memory_space<vmem>> -> memref<128xf32, #tpu.memory_space<vmem>>
      %dma_wait3A_454 = arith.constant 0 : i32
      %dma_wait3A_455 = tpu.memref_slice %arg8[%dma_wait3A_451, %dma_wait3A_454] : memref<13x128xi32, #tpu.memory_space<vmem>> -> memref<1x128xi32, #tpu.memory_space<vmem>>
      %dma_wait3A_456 = tpu.memref_squeeze %dma_wait3A_455 : memref<1x128xi32, #tpu.memory_space<vmem>> -> memref<128xi32, #tpu.memory_space<vmem>>
      %dma_wait3A_457 = arith.constant 0 : i32
      %dma_wait3A_458 = tpu.memref_slice %arg4[%dma_wait3A_457] : memref<2600000xf32, #tpu.memory_space<hbm>> -> memref<2600000xf32, #tpu.memory_space<hbm>>
      tpu.wait_indirect_dma semaphore(%arg13 : memref<!tpu.dma_semaphore, #tpu.memory_space<semaphore_mem>>) src(%dma_wait3A_458 : memref<2600000xf32, #tpu.memory_space<hbm>>) dst(%dma_wait3A_453 : memref<128xf32, #tpu.memory_space<vmem>>)
      %dma_wait3A_459 = arith.constant 11 : i32
      %dma_wait3A_460 = arith.constant 1408 : i32
      %dma_wait3A_461 = arith.constant 0 : i32
      %dma_wait3A_462 = tpu.memref_slice %arg9[%dma_wait3A_460, %dma_wait3A_461] : memref<1664x16xf32, #tpu.memory_space<vmem>> -> memref<128x16xf32, #tpu.memory_space<vmem>>
      %dma_wait3A_463 = arith.constant 0 : i32
      %dma_wait3A_464 = tpu.memref_slice %arg8[%dma_wait3A_459, %dma_wait3A_463] : memref<13x128xi32, #tpu.memory_space<vmem>> -> memref<1x128xi32, #tpu.memory_space<vmem>>
      %dma_wait3A_465 = tpu.memref_squeeze %dma_wait3A_464 : memref<1x128xi32, #tpu.memory_space<vmem>> -> memref<128xi32, #tpu.memory_space<vmem>>
      %dma_wait3A_466 = arith.constant 0 : i32
      %dma_wait3A_467 = arith.constant 0 : i32
      %dma_wait3A_468 = tpu.memref_slice %arg3[%dma_wait3A_466, %dma_wait3A_467] : memref<2600000x16xf32, #tpu.memory_space<hbm>> -> memref<2600000x16xf32, #tpu.memory_space<hbm>>
      tpu.wait_indirect_dma semaphore(%arg13 : memref<!tpu.dma_semaphore, #tpu.memory_space<semaphore_mem>>) src(%dma_wait3A_468 : memref<2600000x16xf32, #tpu.memory_space<hbm>>) dst(%dma_wait3A_462 : memref<128x16xf32, #tpu.memory_space<vmem>>)
      %dma_wait3A_469 = arith.constant 11 : i32
      %dma_wait3A_470 = arith.constant 1408 : i32
      %dma_wait3A_471 = tpu.memref_slice %arg10[%dma_wait3A_470] : memref<1680xf32, #tpu.memory_space<vmem>> -> memref<128xf32, #tpu.memory_space<vmem>>
      %dma_wait3A_472 = arith.constant 0 : i32
      %dma_wait3A_473 = tpu.memref_slice %arg8[%dma_wait3A_469, %dma_wait3A_472] : memref<13x128xi32, #tpu.memory_space<vmem>> -> memref<1x128xi32, #tpu.memory_space<vmem>>
      %dma_wait3A_474 = tpu.memref_squeeze %dma_wait3A_473 : memref<1x128xi32, #tpu.memory_space<vmem>> -> memref<128xi32, #tpu.memory_space<vmem>>
      %dma_wait3A_475 = arith.constant 0 : i32
      %dma_wait3A_476 = tpu.memref_slice %arg4[%dma_wait3A_475] : memref<2600000xf32, #tpu.memory_space<hbm>> -> memref<2600000xf32, #tpu.memory_space<hbm>>
      tpu.wait_indirect_dma semaphore(%arg13 : memref<!tpu.dma_semaphore, #tpu.memory_space<semaphore_mem>>) src(%dma_wait3A_476 : memref<2600000xf32, #tpu.memory_space<hbm>>) dst(%dma_wait3A_471 : memref<128xf32, #tpu.memory_space<vmem>>)
      %dma_wait3A_477 = arith.constant 12 : i32
      %dma_wait3A_478 = arith.constant 1536 : i32
      %dma_wait3A_479 = arith.constant 0 : i32
      %dma_wait3A_480 = tpu.memref_slice %arg9[%dma_wait3A_478, %dma_wait3A_479] : memref<1664x16xf32, #tpu.memory_space<vmem>> -> memref<128x16xf32, #tpu.memory_space<vmem>>
      %dma_wait3A_481 = arith.constant 0 : i32
      %dma_wait3A_482 = tpu.memref_slice %arg8[%dma_wait3A_477, %dma_wait3A_481] : memref<13x128xi32, #tpu.memory_space<vmem>> -> memref<1x128xi32, #tpu.memory_space<vmem>>
      %dma_wait3A_483 = tpu.memref_squeeze %dma_wait3A_482 : memref<1x128xi32, #tpu.memory_space<vmem>> -> memref<128xi32, #tpu.memory_space<vmem>>
      %dma_wait3A_484 = arith.constant 0 : i32
      %dma_wait3A_485 = arith.constant 0 : i32
      %dma_wait3A_486 = tpu.memref_slice %arg3[%dma_wait3A_484, %dma_wait3A_485] : memref<2600000x16xf32, #tpu.memory_space<hbm>> -> memref<2600000x16xf32, #tpu.memory_space<hbm>>
      tpu.wait_indirect_dma semaphore(%arg13 : memref<!tpu.dma_semaphore, #tpu.memory_space<semaphore_mem>>) src(%dma_wait3A_486 : memref<2600000x16xf32, #tpu.memory_space<hbm>>) dst(%dma_wait3A_480 : memref<128x16xf32, #tpu.memory_space<vmem>>)
      %dma_wait3A_487 = arith.constant 12 : i32
      %dma_wait3A_488 = arith.constant 1536 : i32
      %dma_wait3A_489 = tpu.memref_slice %arg10[%dma_wait3A_488] : memref<1680xf32, #tpu.memory_space<vmem>> -> memref<128xf32, #tpu.memory_space<vmem>>
      %dma_wait3A_490 = arith.constant 0 : i32
      %dma_wait3A_491 = tpu.memref_slice %arg8[%dma_wait3A_487, %dma_wait3A_490] : memref<13x128xi32, #tpu.memory_space<vmem>> -> memref<1x128xi32, #tpu.memory_space<vmem>>
      %dma_wait3A_492 = tpu.memref_squeeze %dma_wait3A_491 : memref<1x128xi32, #tpu.memory_space<vmem>> -> memref<128xi32, #tpu.memory_space<vmem>>
      %dma_wait3A_493 = arith.constant 0 : i32
      %dma_wait3A_494 = tpu.memref_slice %arg4[%dma_wait3A_493] : memref<2600000xf32, #tpu.memory_space<hbm>> -> memref<2600000xf32, #tpu.memory_space<hbm>>
      tpu.wait_indirect_dma semaphore(%arg13 : memref<!tpu.dma_semaphore, #tpu.memory_space<semaphore_mem>>) src(%dma_wait3A_494 : memref<2600000xf32, #tpu.memory_space<hbm>>) dst(%dma_wait3A_489 : memref<128xf32, #tpu.memory_space<vmem>>)
      %scan3A_495 = arith.constant 0 : i32
      %scan3A_496 = arith.constant 0 : i32
      %scan3A_497 = arith.constant 64 : i32
      %scan3A_498 = arith.addi %scan3A_496, %scan3A_497 : i32
      %scan3A_499 = arith.constant 1 : i32
      scf.for %scan3A_501 = %scan3A_496 to %scan3A_498 step %scan3A_499  : i32 {
        %mul3A_502 = arith.constant 26 : i32
        %mul3A_503 = arith.muli %scan3A_501, %mul3A_502 : i32
        %get3A_504 = arith.index_cast %mul3A_503 : i32 to index
        %get3A_505 = arith.constant 0 : index
        %get3A_506 = tpu.vector_load %arg9[%get3A_504, %get3A_505] {strides = array<i32>} : memref<1664x16xf32, #tpu.memory_space<vmem>>, vector<16xf32>,
        %mul3A_507 = arith.mulf %get3A_506, %get3A_506 : vector<16xf32>
        %add3A_508 = arith.constant 1 : i32
        %add3A_509 = arith.addi %mul3A_503, %add3A_508 : i32
        %get3A_510 = arith.index_cast %add3A_509 : i32 to index
        %get3A_511 = arith.constant 0 : index
        %get3A_512 = tpu.vector_load %arg9[%get3A_510, %get3A_511] {strides = array<i32>} : memref<1664x16xf32, #tpu.memory_space<vmem>>, vector<16xf32>,
        %add3A_513 = arith.addf %get3A_506, %get3A_512 : vector<16xf32>
        %mul3A_514 = arith.mulf %get3A_512, %get3A_512 : vector<16xf32>
        %add3A_515 = arith.addf %mul3A_507, %mul3A_514 : vector<16xf32>
        %add3A_516 = arith.constant 2 : i32
        %add3A_517 = arith.addi %mul3A_503, %add3A_516 : i32
        %get3A_518 = arith.index_cast %add3A_517 : i32 to index
        %get3A_519 = arith.constant 0 : index
        %get3A_520 = tpu.vector_load %arg9[%get3A_518, %get3A_519] {strides = array<i32>} : memref<1664x16xf32, #tpu.memory_space<vmem>>, vector<16xf32>,
        %add3A_521 = arith.addf %add3A_513, %get3A_520 : vector<16xf32>
        %mul3A_522 = arith.mulf %get3A_520, %get3A_520 : vector<16xf32>
        %add3A_523 = arith.addf %add3A_515, %mul3A_522 : vector<16xf32>
        %add3A_524 = arith.constant 3 : i32
        %add3A_525 = arith.addi %mul3A_503, %add3A_524 : i32
        %get3A_526 = arith.index_cast %add3A_525 : i32 to index
        %get3A_527 = arith.constant 0 : index
        %get3A_528 = tpu.vector_load %arg9[%get3A_526, %get3A_527] {strides = array<i32>} : memref<1664x16xf32, #tpu.memory_space<vmem>>, vector<16xf32>,
        %add3A_529 = arith.addf %add3A_521, %get3A_528 : vector<16xf32>
        %mul3A_530 = arith.mulf %get3A_528, %get3A_528 : vector<16xf32>
        %add3A_531 = arith.addf %add3A_523, %mul3A_530 : vector<16xf32>
        %add3A_532 = arith.constant 4 : i32
        %add3A_533 = arith.addi %mul3A_503, %add3A_532 : i32
        %get3A_534 = arith.index_cast %add3A_533 : i32 to index
        %get3A_535 = arith.constant 0 : index
        %get3A_536 = tpu.vector_load %arg9[%get3A_534, %get3A_535] {strides = array<i32>} : memref<1664x16xf32, #tpu.memory_space<vmem>>, vector<16xf32>,
        %add3A_537 = arith.addf %add3A_529, %get3A_536 : vector<16xf32>
        %mul3A_538 = arith.mulf %get3A_536, %get3A_536 : vector<16xf32>
        %add3A_539 = arith.addf %add3A_531, %mul3A_538 : vector<16xf32>
        %add3A_540 = arith.constant 5 : i32
        %add3A_541 = arith.addi %mul3A_503, %add3A_540 : i32
        %get3A_542 = arith.index_cast %add3A_541 : i32 to index
        %get3A_543 = arith.constant 0 : index
        %get3A_544 = tpu.vector_load %arg9[%get3A_542, %get3A_543] {strides = array<i32>} : memref<1664x16xf32, #tpu.memory_space<vmem>>, vector<16xf32>,
        %add3A_545 = arith.addf %add3A_537, %get3A_544 : vector<16xf32>
        %mul3A_546 = arith.mulf %get3A_544, %get3A_544 : vector<16xf32>
        %add3A_547 = arith.addf %add3A_539, %mul3A_546 : vector<16xf32>
        %add3A_548 = arith.constant 6 : i32
        %add3A_549 = arith.addi %mul3A_503, %add3A_548 : i32
        %get3A_550 = arith.index_cast %add3A_549 : i32 to index
        %get3A_551 = arith.constant 0 : index
        %get3A_552 = tpu.vector_load %arg9[%get3A_550, %get3A_551] {strides = array<i32>} : memref<1664x16xf32, #tpu.memory_space<vmem>>, vector<16xf32>,
        %add3A_553 = arith.addf %add3A_545, %get3A_552 : vector<16xf32>
        %mul3A_554 = arith.mulf %get3A_552, %get3A_552 : vector<16xf32>
        %add3A_555 = arith.addf %add3A_547, %mul3A_554 : vector<16xf32>
        %add3A_556 = arith.constant 7 : i32
        %add3A_557 = arith.addi %mul3A_503, %add3A_556 : i32
        %get3A_558 = arith.index_cast %add3A_557 : i32 to index
        %get3A_559 = arith.constant 0 : index
        %get3A_560 = tpu.vector_load %arg9[%get3A_558, %get3A_559] {strides = array<i32>} : memref<1664x16xf32, #tpu.memory_space<vmem>>, vector<16xf32>,
        %add3A_561 = arith.addf %add3A_553, %get3A_560 : vector<16xf32>
        %mul3A_562 = arith.mulf %get3A_560, %get3A_560 : vector<16xf32>
        %add3A_563 = arith.addf %add3A_555, %mul3A_562 : vector<16xf32>
        %add3A_564 = arith.constant 8 : i32
        %add3A_565 = arith.addi %mul3A_503, %add3A_564 : i32
        %get3A_566 = arith.index_cast %add3A_565 : i32 to index
        %get3A_567 = arith.constant 0 : index
        %get3A_568 = tpu.vector_load %arg9[%get3A_566, %get3A_567] {strides = array<i32>} : memref<1664x16xf32, #tpu.memory_space<vmem>>, vector<16xf32>,
        %add3A_569 = arith.addf %add3A_561, %get3A_568 : vector<16xf32>
        %mul3A_570 = arith.mulf %get3A_568, %get3A_568 : vector<16xf32>
        %add3A_571 = arith.addf %add3A_563, %mul3A_570 : vector<16xf32>
        %add3A_572 = arith.constant 9 : i32
        %add3A_573 = arith.addi %mul3A_503, %add3A_572 : i32
        %get3A_574 = arith.index_cast %add3A_573 : i32 to index
        %get3A_575 = arith.constant 0 : index
        %get3A_576 = tpu.vector_load %arg9[%get3A_574, %get3A_575] {strides = array<i32>} : memref<1664x16xf32, #tpu.memory_space<vmem>>, vector<16xf32>,
        %add3A_577 = arith.addf %add3A_569, %get3A_576 : vector<16xf32>
        %mul3A_578 = arith.mulf %get3A_576, %get3A_576 : vector<16xf32>
        %add3A_579 = arith.addf %add3A_571, %mul3A_578 : vector<16xf32>
        %add3A_580 = arith.constant 10 : i32
        %add3A_581 = arith.addi %mul3A_503, %add3A_580 : i32
        %get3A_582 = arith.index_cast %add3A_581 : i32 to index
        %get3A_583 = arith.constant 0 : index
        %get3A_584 = tpu.vector_load %arg9[%get3A_582, %get3A_583] {strides = array<i32>} : memref<1664x16xf32, #tpu.memory_space<vmem>>, vector<16xf32>,
        %add3A_585 = arith.addf %add3A_577, %get3A_584 : vector<16xf32>
        %mul3A_586 = arith.mulf %get3A_584, %get3A_584 : vector<16xf32>
        %add3A_587 = arith.addf %add3A_579, %mul3A_586 : vector<16xf32>
        %add3A_588 = arith.constant 11 : i32
        %add3A_589 = arith.addi %mul3A_503, %add3A_588 : i32
        %get3A_590 = arith.index_cast %add3A_589 : i32 to index
        %get3A_591 = arith.constant 0 : index
        %get3A_592 = tpu.vector_load %arg9[%get3A_590, %get3A_591] {strides = array<i32>} : memref<1664x16xf32, #tpu.memory_space<vmem>>, vector<16xf32>,
        %add3A_593 = arith.addf %add3A_585, %get3A_592 : vector<16xf32>
        %mul3A_594 = arith.mulf %get3A_592, %get3A_592 : vector<16xf32>
        %add3A_595 = arith.addf %add3A_587, %mul3A_594 : vector<16xf32>
        %add3A_596 = arith.constant 12 : i32
        %add3A_597 = arith.addi %mul3A_503, %add3A_596 : i32
        %get3A_598 = arith.index_cast %add3A_597 : i32 to index
        %get3A_599 = arith.constant 0 : index
        %get3A_600 = tpu.vector_load %arg9[%get3A_598, %get3A_599] {strides = array<i32>} : memref<1664x16xf32, #tpu.memory_space<vmem>>, vector<16xf32>,
        %add3A_601 = arith.addf %add3A_593, %get3A_600 : vector<16xf32>
        %mul3A_602 = arith.mulf %get3A_600, %get3A_600 : vector<16xf32>
        %add3A_603 = arith.addf %add3A_595, %mul3A_602 : vector<16xf32>
        %add3A_604 = arith.constant 13 : i32
        %add3A_605 = arith.addi %mul3A_503, %add3A_604 : i32
        %get3A_606 = arith.index_cast %add3A_605 : i32 to index
        %get3A_607 = arith.constant 0 : index
        %get3A_608 = tpu.vector_load %arg9[%get3A_606, %get3A_607] {strides = array<i32>} : memref<1664x16xf32, #tpu.memory_space<vmem>>, vector<16xf32>,
        %add3A_609 = arith.addf %add3A_601, %get3A_608 : vector<16xf32>
        %mul3A_610 = arith.mulf %get3A_608, %get3A_608 : vector<16xf32>
        %add3A_611 = arith.addf %add3A_603, %mul3A_610 : vector<16xf32>
        %add3A_612 = arith.constant 14 : i32
        %add3A_613 = arith.addi %mul3A_503, %add3A_612 : i32
        %get3A_614 = arith.index_cast %add3A_613 : i32 to index
        %get3A_615 = arith.constant 0 : index
        %get3A_616 = tpu.vector_load %arg9[%get3A_614, %get3A_615] {strides = array<i32>} : memref<1664x16xf32, #tpu.memory_space<vmem>>, vector<16xf32>,
        %add3A_617 = arith.addf %add3A_609, %get3A_616 : vector<16xf32>
        %mul3A_618 = arith.mulf %get3A_616, %get3A_616 : vector<16xf32>
        %add3A_619 = arith.addf %add3A_611, %mul3A_618 : vector<16xf32>
        %add3A_620 = arith.constant 15 : i32
        %add3A_621 = arith.addi %mul3A_503, %add3A_620 : i32
        %get3A_622 = arith.index_cast %add3A_621 : i32 to index
        %get3A_623 = arith.constant 0 : index
        %get3A_624 = tpu.vector_load %arg9[%get3A_622, %get3A_623] {strides = array<i32>} : memref<1664x16xf32, #tpu.memory_space<vmem>>, vector<16xf32>,
        %add3A_625 = arith.addf %add3A_617, %get3A_624 : vector<16xf32>
        %mul3A_626 = arith.mulf %get3A_624, %get3A_624 : vector<16xf32>
        %add3A_627 = arith.addf %add3A_619, %mul3A_626 : vector<16xf32>
        %add3A_628 = arith.constant 16 : i32
        %add3A_629 = arith.addi %mul3A_503, %add3A_628 : i32
        %get3A_630 = arith.index_cast %add3A_629 : i32 to index
        %get3A_631 = arith.constant 0 : index
        %get3A_632 = tpu.vector_load %arg9[%get3A_630, %get3A_631] {strides = array<i32>} : memref<1664x16xf32, #tpu.memory_space<vmem>>, vector<16xf32>,
        %add3A_633 = arith.addf %add3A_625, %get3A_632 : vector<16xf32>
        %mul3A_634 = arith.mulf %get3A_632, %get3A_632 : vector<16xf32>
        %add3A_635 = arith.addf %add3A_627, %mul3A_634 : vector<16xf32>
        %add3A_636 = arith.constant 17 : i32
        %add3A_637 = arith.addi %mul3A_503, %add3A_636 : i32
        %get3A_638 = arith.index_cast %add3A_637 : i32 to index
        %get3A_639 = arith.constant 0 : index
        %get3A_640 = tpu.vector_load %arg9[%get3A_638, %get3A_639] {strides = array<i32>} : memref<1664x16xf32, #tpu.memory_space<vmem>>, vector<16xf32>,
        %add3A_641 = arith.addf %add3A_633, %get3A_640 : vector<16xf32>
        %mul3A_642 = arith.mulf %get3A_640, %get3A_640 : vector<16xf32>
        %add3A_643 = arith.addf %add3A_635, %mul3A_642 : vector<16xf32>
        %add3A_644 = arith.constant 18 : i32
        %add3A_645 = arith.addi %mul3A_503, %add3A_644 : i32
        %get3A_646 = arith.index_cast %add3A_645 : i32 to index
        %get3A_647 = arith.constant 0 : index
        %get3A_648 = tpu.vector_load %arg9[%get3A_646, %get3A_647] {strides = array<i32>} : memref<1664x16xf32, #tpu.memory_space<vmem>>, vector<16xf32>,
        %add3A_649 = arith.addf %add3A_641, %get3A_648 : vector<16xf32>
        %mul3A_650 = arith.mulf %get3A_648, %get3A_648 : vector<16xf32>
        %add3A_651 = arith.addf %add3A_643, %mul3A_650 : vector<16xf32>
        %add3A_652 = arith.constant 19 : i32
        %add3A_653 = arith.addi %mul3A_503, %add3A_652 : i32
        %get3A_654 = arith.index_cast %add3A_653 : i32 to index
        %get3A_655 = arith.constant 0 : index
        %get3A_656 = tpu.vector_load %arg9[%get3A_654, %get3A_655] {strides = array<i32>} : memref<1664x16xf32, #tpu.memory_space<vmem>>, vector<16xf32>,
        %add3A_657 = arith.addf %add3A_649, %get3A_656 : vector<16xf32>
        %mul3A_658 = arith.mulf %get3A_656, %get3A_656 : vector<16xf32>
        %add3A_659 = arith.addf %add3A_651, %mul3A_658 : vector<16xf32>
        %add3A_660 = arith.constant 20 : i32
        %add3A_661 = arith.addi %mul3A_503, %add3A_660 : i32
        %get3A_662 = arith.index_cast %add3A_661 : i32 to index
        %get3A_663 = arith.constant 0 : index
        %get3A_664 = tpu.vector_load %arg9[%get3A_662, %get3A_663] {strides = array<i32>} : memref<1664x16xf32, #tpu.memory_space<vmem>>, vector<16xf32>,
        %add3A_665 = arith.addf %add3A_657, %get3A_664 : vector<16xf32>
        %mul3A_666 = arith.mulf %get3A_664, %get3A_664 : vector<16xf32>
        %add3A_667 = arith.addf %add3A_659, %mul3A_666 : vector<16xf32>
        %add3A_668 = arith.constant 21 : i32
        %add3A_669 = arith.addi %mul3A_503, %add3A_668 : i32
        %get3A_670 = arith.index_cast %add3A_669 : i32 to index
        %get3A_671 = arith.constant 0 : index
        %get3A_672 = tpu.vector_load %arg9[%get3A_670, %get3A_671] {strides = array<i32>} : memref<1664x16xf32, #tpu.memory_space<vmem>>, vector<16xf32>,
        %add3A_673 = arith.addf %add3A_665, %get3A_672 : vector<16xf32>
        %mul3A_674 = arith.mulf %get3A_672, %get3A_672 : vector<16xf32>
        %add3A_675 = arith.addf %add3A_667, %mul3A_674 : vector<16xf32>
        %add3A_676 = arith.constant 22 : i32
        %add3A_677 = arith.addi %mul3A_503, %add3A_676 : i32
        %get3A_678 = arith.index_cast %add3A_677 : i32 to index
        %get3A_679 = arith.constant 0 : index
        %get3A_680 = tpu.vector_load %arg9[%get3A_678, %get3A_679] {strides = array<i32>} : memref<1664x16xf32, #tpu.memory_space<vmem>>, vector<16xf32>,
        %add3A_681 = arith.addf %add3A_673, %get3A_680 : vector<16xf32>
        %mul3A_682 = arith.mulf %get3A_680, %get3A_680 : vector<16xf32>
        %add3A_683 = arith.addf %add3A_675, %mul3A_682 : vector<16xf32>
        %add3A_684 = arith.constant 23 : i32
        %add3A_685 = arith.addi %mul3A_503, %add3A_684 : i32
        %get3A_686 = arith.index_cast %add3A_685 : i32 to index
        %get3A_687 = arith.constant 0 : index
        %get3A_688 = tpu.vector_load %arg9[%get3A_686, %get3A_687] {strides = array<i32>} : memref<1664x16xf32, #tpu.memory_space<vmem>>, vector<16xf32>,
        %add3A_689 = arith.addf %add3A_681, %get3A_688 : vector<16xf32>
        %mul3A_690 = arith.mulf %get3A_688, %get3A_688 : vector<16xf32>
        %add3A_691 = arith.addf %add3A_683, %mul3A_690 : vector<16xf32>
        %add3A_692 = arith.constant 24 : i32
        %add3A_693 = arith.addi %mul3A_503, %add3A_692 : i32
        %get3A_694 = arith.index_cast %add3A_693 : i32 to index
        %get3A_695 = arith.constant 0 : index
        %get3A_696 = tpu.vector_load %arg9[%get3A_694, %get3A_695] {strides = array<i32>} : memref<1664x16xf32, #tpu.memory_space<vmem>>, vector<16xf32>,
        %add3A_697 = arith.addf %add3A_689, %get3A_696 : vector<16xf32>
        %mul3A_698 = arith.mulf %get3A_696, %get3A_696 : vector<16xf32>
        %add3A_699 = arith.addf %add3A_691, %mul3A_698 : vector<16xf32>
        %add3A_700 = arith.constant 25 : i32
        %add3A_701 = arith.addi %mul3A_503, %add3A_700 : i32
        %get3A_702 = arith.index_cast %add3A_701 : i32 to index
        %get3A_703 = arith.constant 0 : index
        %get3A_704 = tpu.vector_load %arg9[%get3A_702, %get3A_703] {strides = array<i32>} : memref<1664x16xf32, #tpu.memory_space<vmem>>, vector<16xf32>,
        %add3A_705 = arith.addf %add3A_697, %get3A_704 : vector<16xf32>
        %mul3A_706 = arith.mulf %get3A_704, %get3A_704 : vector<16xf32>
        %add3A_707 = arith.addf %add3A_699, %mul3A_706 : vector<16xf32>
        %get3A_708 = arith.index_cast %mul3A_503 : i32 to index
        %get3A_709 = tpu.vector_load %arg10[%get3A_708] {strides = array<i32>} : memref<1680xf32, #tpu.memory_space<vmem>>, vector<16xf32>,
        %add3A_710 = arith.constant 16 : i32
        %add3A_711 = arith.addi %mul3A_503, %add3A_710 : i32
        %get3A_712 = arith.index_cast %add3A_711 : i32 to index
        %get3A_713 = tpu.vector_load %arg10[%get3A_712] {strides = array<i32>} : memref<1680xf32, #tpu.memory_space<vmem>>, vector<16xf32>,
        %mul3A_714 = arith.mulf %get3A_713, %select_n3A : vector<16xf32>
        %add3A_715 = arith.addf %get3A_709, %mul3A_714 : vector<16xf32>
        %broadcast_in_dim3A_716 = arith.constant true
        %broadcast_in_dim3A_717 = vector.broadcast %broadcast_in_dim3A_716 : i1 to vector<16xi1>
        %masked_cumsum3A = tpu.scan <sum>, %add3A_705 masked %broadcast_in_dim3A_717 : vector<16xf32>, vector<16xi1> -> vector<16xf32>
        %broadcast_in_dim3A_718 = arith.constant true
        %broadcast_in_dim3A_719 = vector.broadcast %broadcast_in_dim3A_718 : i1 to vector<16xi1>
        %masked_cumsum3A_720 = tpu.scan <sum>, %add3A_707 masked %broadcast_in_dim3A_719 : vector<16xf32>, vector<16xi1> -> vector<16xf32>
        %broadcast_in_dim3A_721 = arith.constant true
        %broadcast_in_dim3A_722 = vector.broadcast %broadcast_in_dim3A_721 : i1 to vector<16xi1>
        %masked_cumsum3A_723 = tpu.scan <sum>, %add3A_715 masked %broadcast_in_dim3A_722 : vector<16xf32>, vector<16xi1> -> vector<16xf32>
        %add3A_724 = vector.broadcast %squeeze3A : f32 to vector<16xf32>
        %add3A_725 = arith.addf %masked_cumsum3A_723, %add3A_724 : vector<16xf32>
        %mul3A_726 = arith.mulf %masked_cumsum3A, %masked_cumsum3A : vector<16xf32>
        %sub3A = arith.subf %mul3A_726, %masked_cumsum3A_720 : vector<16xf32>
        %mul3A_727 = arith.constant 5.000000e-01 : f32
        %mul3A_728 = vector.broadcast %mul3A_727 : f32 to vector<16xf32>
        %mul3A_729 = arith.mulf %mul3A_728, %sub3A : vector<16xf32>
        %add3A_730 = arith.addf %add3A_725, %mul3A_729 : vector<16xf32>
        %neg3A = arith.constant 0.000000e+00 : f32
        %neg3A_731 = vector.broadcast %neg3A : f32 to vector<16xf32>
        %neg3A_732 = arith.subf %neg3A_731, %add3A_730 : vector<16xf32>
        %exp3A = math.exp %neg3A_732 : vector<16xf32>
        %add3A_733 = arith.constant 1.000000e+00 : f32
        %add3A_734 = vector.broadcast %add3A_733 : f32 to vector<16xf32>
        %add3A_735 = arith.addf %add3A_734, %exp3A : vector<16xf32>
        %div3A = arith.constant 1.000000e+00 : f32
        %div3A_736 = vector.broadcast %div3A : f32 to vector<16xf32>
        %div3A_737 = arith.divf %div3A_736, %add3A_735 : vector<16xf32>
        %add3A_738 = vector.broadcast %scan3A_501 : i32 to vector<16xi32>
        %add3A_739 = arith.addi %broadcast_in_dim3A_11, %add3A_738 : vector<16xi32>
        tpu.vector_store_idx %arg11[%add3A_739], %div3A_737 masked %eq3A_9 : memref<64xf32, #tpu.memory_space<vmem>>[vector<16xi32>], vector<16xf32>, vector<16xi1>
      }
      %scan3A_500 = arith.constant 64 : i32
      "tpu.region"() ({
        %run_scoped3A = tpu.sem_alloc : memref<!tpu.dma_semaphore, #tpu.memory_space<semaphore_mem>>
        %dma_start3A_501 = tpu.memref_slice %arg6[%add3A_20] : memref<16384xf32, #tpu.memory_space<hbm>> -> memref<64xf32, #tpu.memory_space<hbm>>
        %dma_start3A_502 = tpu.memref_slice %arg6[%add3A_20] : memref<16384xf32, #tpu.memory_space<hbm>> -> memref<64xf32, #tpu.memory_space<hbm>>
        tpu.enqueue_dma source(%arg11 : memref<64xf32, #tpu.memory_space<vmem>>) target(%dma_start3A_502 : memref<64xf32, #tpu.memory_space<hbm>>) target_semaphore(%run_scoped3A : memref<!tpu.dma_semaphore, #tpu.memory_space<semaphore_mem>>)
        %dma_wait3A_503 = tpu.memref_slice %arg6[%add3A_20] : memref<16384xf32, #tpu.memory_space<hbm>> -> memref<64xf32, #tpu.memory_space<hbm>>
        %dma_wait3A_504 = tpu.memref_slice %arg6[%add3A_20] : memref<16384xf32, #tpu.memory_space<hbm>> -> memref<64xf32, #tpu.memory_space<hbm>>
        tpu.wait_dma2 semaphore(%run_scoped3A : memref<!tpu.dma_semaphore, #tpu.memory_space<semaphore_mem>>) src(%arg11 : memref<64xf32, #tpu.memory_space<vmem>>) dst(%dma_wait3A_504 : memref<64xf32, #tpu.memory_space<hbm>>)
        tpu.yield
      }) : () -> ()
    }
    %scan3A_16 = arith.constant 8 : i32
    return
  }
}

</mosaic_0001>

<sc_bundles>
// kernel: kernel.3.cloned.1.call-start
scs
__scs_entry_jumppad:
0x0: {  	(pc) =	sbr.rel $0x88, $3  }
0x1: {  	(tag) =	ssettag $0x0;
	lr =	simm.s32 $0x1  }
0x2: {  	[smem:$0x3F9D] =	sst lr;
	_ =	strace $0xD0000000  }
0x3: {  	_ = 	snop  }
0x4: {  	_ = 	snop  }
0x5: {  	_ = 	snop  }
0x6: {  	_ = 	snop  }
0x7: {  	_ = 	snop  }
__scs_overlays_trampoline_lowered:
0x8: {  	[smem:$0x3FAC] =	sst s0  }
0x9: {  	[smem:$0x3FAD] =	sst s1  }
0xa: {  	[smem:$0x3FAE] =	sst s2  }
0xb: {  	[smem:$0x3FAF] =	sst s3  }
0xc: {  	[smem:$0x3FB0] =	sst s4  }
0xd: {  	[smem:$0x3FB1] =	sst s5  }
0xe: {  	[smem:$0x3FB2] =	sst s6  }
0xf: {  	[smem:$0x3FB3] =	sst s7  }
0x10: {  	[smem:$0x3FB4] =	sst s8  }
0x11: {  	[smem:$0x3FB5] =	sst s9;
	s0 =	simm.s32 @!p0 $0x0  }
0x12: {  	s1 =	sld [smem:$0x3F9B];
	s0 =	simm.s32 @p0 $0x1  }
0x13: {  	[smem:$0x3FB6] =	sst s0;
	s0 =	simm.s32 @!p1 $0x0  }
0x14: {  	s2 =	sld [smem:$0x3F9A];
	s0 =	simm.s32 @p1 $0x1  }
0x15: {  	[smem:$0x3FB7] =	sst s0;
	s0 =	simm.s32 @!p2 $0x0  }
0x16: {  	s3 =	sld [smem:$0x3FDB];
	s0 =	simm.s32 @p2 $0x1  }
0x17: {  	s4 =	simm.s32 $0x1BF5;
	[smem:$0x3FB9] =	sst s0  }
0x18: {  	s0 =	sld [smem:$0x3F9C];
	_ =	swait.ge [sflag:s4], $0x0  }
0x19: {  	s7 =	sld [smem:$0x3F9D]  }
0x1a: {  	s8 =	sadd.s32 $0xFFFFE003, lr  }
0x1b: {  	s9 =	sadd.s32 $0xFFFFFEF7, lr;
	s5 =	simm.s32 $0xFFFFFFFF;
	p2 =	slt.u32 s8, $0xFFFFF086  }
0x1c: {  	p1 =	slt.u32 s9, $0xF7A;
	s5 =	simm.s32 @!p2 $0x0  }
0x1d: {  	s5 =	simm.s32 @p1 $0x1;
	p0 =	seq.s32 s7, s2  }
0x1e: {  	s7 =	smul.u32 @!p0 $0xF7A, s2;
	p2 =	seq.s32 @!p0 s5, $0x0  }
0x1f: {  	s9 =	smul.u32 $0xF7A, s1;
	s8 =	simm.s32 @!p0 $0x1BF5;
	p2 =	por !p2, p0  }
0x20: {  	[sflag:s8] =	ssyncset.s32 @!p0 $0xFFFFF086;
	s6 =	sadd.s32 @!p0 s3, s7;
	s7 =	simm.s32 @!p0 $0x108  }
0x21: {  	s3 =	sadd.s32 s3, s9;
	s6 =	sadd.s32 @!p0 $0x88, s6;
	s7 =	simm.s32 @p2 $0x1082  }
0x22: {  	[simem:s7], [sflag:s8] =	dma.local @!p0 [hbm:s6], $0xF7A  }
0x23: {  	s9 =	sor.u32 $0xD0000000, s2;
	s6 =	simm.s32 $0x108;
	_ =	swait.ge @!p0 [sflag:s8], $0x0  }
0x24: {  	s3 =	sadd.s32 $0x88, s3;
	s6 =	simm.s32 @!p1 $0x1082;
	[sflag:s4] =	ssyncset.s32 $0xFFFFF086  }
0x25: {  	[simem:s6], [sflag:s4] =	dma.local [hbm:s3], $0xF7A  }
0x26: {  	[smem:$0x3F9D] =	sst s1;
	(tag) =	ssettag s2;
	_ =	strace s9  }
0x27: {  	s1 =	sld [smem:$0x3FAD]  }
0x28: {  	s2 =	sld [smem:$0x3FAE]  }
0x29: {  	s4 =	sld [smem:$0x3FB0]  }
0x2a: {  	p0 =	seq.s32 s5, $0x0;
	s5 =	sld [smem:$0x3FB1]  }
0x2b: {  	s6 =	sld [smem:$0x3FB2]  }
0x2c: {  	s7 =	sld [smem:$0x3FB3]  }
0x2d: {  	s3 =	simm.s32 $0x108;
	s8 =	sld [smem:$0x3FB4]  }
0x2e: {  	s3 =	simm.s32 @!p0 $0x1082;
	s9 =	sld [smem:$0x3FB5]  }
0x2f: {  	lr =	sadd.s32 s0, s3;
	s0 =	sld [smem:$0x3FAC]  }
0x30: {  	s3 =	sld [smem:$0x3FAF]  }
0x31: {  	[smem:$0x3FB8] =	sst s10  }
0x32: {  	s10 =	sld [smem:$0x3FB6];
	_ =	sdelay $0x3  }
0x33: {  	p0 =	seq.s32 s10, $0x1;
	s10 =	sld [smem:$0x3FB8];
	_ =	sdelay $0x3  }
0x34: {  	[smem:$0x3FB8] =	sst s10  }
0x35: {  	s10 =	sld [smem:$0x3FB7];
	_ =	sdelay $0x3  }
0x36: {  	p1 =	seq.s32 s10, $0x1;
	s10 =	sld [smem:$0x3FB8];
	_ =	sdelay $0x3  }
0x37: {  	[smem:$0x3FB8] =	sst s10  }
0x38: {  	s10 =	sld [smem:$0x3FB9]  }
0x39: {  	_ = 	snop;
	(pc) =	sbr.ind lr, $3  }
0x3a: {  	_ = 	snop  }
0x3b: {  	_ = 	snop  }
0x3c: {  	p2 =	seq.s32 s10, $0x1;
	s10 =	sld [smem:$0x3FB8]  }
0x3d: {  	_ =	shalt  }
0x3e: {  	_ =	shalt  }
0x3f: {  	_ =	shalt  }
0x40: {  	_ =	shalt  }
0x41: {  	_ =	shalt  }
0x42: {  	_ =	shalt  }
0x43: {  	_ =	shalt  }
0x44: {  	_ =	shalt  }
0x45: {  	_ =	shalt  }
0x46: {  	_ =	shalt  }
0x47: {  	_ =	shalt  }
0x48: {  	_ =	shalt  }
0x49: {  	_ =	shalt  }
0x4a: {  	_ =	shalt  }
0x4b: {  	_ =	shalt  }
0x4c: {  	_ =	shalt  }
0x4d: {  	_ =	shalt  }
0x4e: {  	_ =	shalt  }
0x4f: {  	_ =	shalt  }
0x50: {  	_ =	shalt  }
0x51: {  	_ =	shalt  }
0x52: {  	_ =	shalt  }
0x53: {  	_ =	shalt  }
0x54: {  	_ =	shalt  }
0x55: {  	_ =	shalt  }
0x56: {  	_ =	shalt  }
0x57: {  	_ =	shalt  }
0x58: {  	_ =	shalt  }
0x59: {  	_ =	shalt  }
0x5a: {  	_ =	shalt  }
0x5b: {  	_ =	shalt  }
0x5c: {  	_ =	shalt  }
0x5d: {  	_ =	shalt  }
0x5e: {  	_ =	shalt  }
0x5f: {  	_ =	shalt  }
0x60: {  	_ =	shalt  }
0x61: {  	_ =	shalt  }
0x62: {  	_ =	shalt  }
0x63: {  	_ =	shalt  }
0x64: {  	_ =	shalt  }
0x65: {  	_ =	shalt  }
0x66: {  	_ =	shalt  }
0x67: {  	_ =	shalt  }
0x68: {  	_ =	shalt  }
0x69: {  	_ =	shalt  }
0x6a: {  	_ =	shalt  }
0x6b: {  	_ =	shalt  }
0x6c: {  	_ =	shalt  }
0x6d: {  	_ =	shalt  }
0x6e: {  	_ =	shalt  }
0x6f: {  	_ =	shalt  }
0x70: {  	_ =	shalt  }
0x71: {  	_ =	shalt  }
0x72: {  	_ =	shalt  }
0x73: {  	_ =	shalt  }
0x74: {  	_ =	shalt  }
0x75: {  	_ =	shalt  }
0x76: {  	_ =	shalt  }
0x77: {  	_ =	shalt  }
0x78: {  	_ =	shalt  }
0x79: {  	_ =	shalt  }
0x7a: {  	_ =	shalt  }
0x7b: {  	_ =	shalt  }
0x7c: {  	_ =	shalt  }
0x7d: {  	_ =	shalt  }
0x7e: {  	_ =	shalt  }
0x7f: {  	_ =	shalt  }
0x80: {  	_ =	shalt  }
0x81: {  	_ =	shalt  }
0x82: {  	_ =	shalt  }
0x83: {  	_ =	shalt  }
0x84: {  	_ =	shalt  }
0x85: {  	_ =	shalt  }
0x86: {  	_ =	shalt  }
0x87: {  	_ =	shalt  }
.Lfunc_end0:
.L_simem_size_0:
called_computation_lowered:
.L_overlay_start_0:
0x88: {  	s2 =	sld [smem:$0x3FD9]  }
0x89: {  	s3 =	sld [smem:$0x3FFE];
	_ =	sdelay $0x1  }
0x8a: {  	s1 =	srdreg.scid  }
0x8b: {  	s0 =	sand.u32 $0x1, s1  }
0x8c: {  	s17 =	sshll.u32 s0, $0xA;
	s2 =	sadd.s32 s3, s2  }
0x8d: {  	s2 =	sadd.s32 s2, s17  }
0x8e: {  	[smem:$0x3FC4] =	sst s2  }
0x8f: {  	_ = 	snop  }
0x90: {  	s2 =	sld [smem:$0x3FC7]  }
0x91: {  	s18 =	sld [smem:$0x3FC6]  }
0x92: {  	s4 =	sld [smem:$0x3FD0];
	(tm) =	ssettm $0x1  }
0x93: {  	s5 =	sld [smem:$0x3FFB];
	_ =	sdelay $0x3  }
0x94: {  	_ =	strace s5  }
0x95: {  	s5 =	sld [smem:$0x3FFC];
	_ =	sdelay $0x3  }
0x96: {  	_ =	strace s5  }
0x97: {  	s5 =	sld [smem:$0x3FFD];
	_ =	sdelay $0x3  }
0x98: {  	_ =	strace s5  }
0x99: {  	_ =	strace $0x8FFFFFFF  }
0x9a: {  	s19 =	sld [smem:$0x3FDB];
	_ =	sdelay $0x1  }
0x9b: {  	s6 =	simm.s32 $_scs_section_size  }
0x9c: {  	s7 =	simm.s32 $_size__tile_overlayer_lowered;
	s8 =	simm.s32 $_tile_overlayer_lowered  }
0x9d: {  	s22 =	simm.s32 $0x1BFF;
	s21 =	sshll.u32 s8, $0x1;
	s5 =	sadd.s32 s6, s19  }
0x9e: {  	s9 =	simm.s32 $0x0;
	s20 =	sshll.u32 s7, $0x1;
	s7 =	sadd.s32 s21, s5  }
0x9f: {  	[timem:s9], [sflag:s22] =	dma.local [hbm:s7], s20  }
0xa0: {  	_ =	swait.ge [sflag:s22], s20  }
0xa1: {  	s6 =	ssub.s32 $0x0, s20;
	[sflag:s22] =	ssyncset.done $0x0  }
0xa2: {  	[sflag:s22] =	ssyncadd.s32 s6;
	_ =	sdelay $0x1  }
0xa3: {  	s23 =	simm.s32 $0x1B8B  }
0xa4: {  	_ =	swait.ge [sflag:s23], $0x1  }
0xa5: {  	[sflag:s23] =	ssyncset.done $0x0  }
0xa6: {  	s25 =	simm.s32 $0x1B8E;
	s24 =	sld [smem:$0x3FFE];
	[sflag:s23] =	ssyncadd.s32 $0xFFFFFFFF  }
0xa7: {  	s26 =	simm.s32 $execute0_lowered;
	[smem:$0x3FD2] =	sst s25  }
0xa8: {  	s7 =	sshll.u32 s26, $0x1;
	_ =	strace $0x80000046;
	[dreg:$0x1] =	wrdreg $0xFFFFFFFF  }
0xa9: {  	s28 =	simm.s32 $_size_execute0_lowered;
	s5 =	sadd.s32 s5, s7;
	[dreg:$0x0] =	wrdreg $0x0  }
0xaa: {  	s7 =	sshll.u32 s28, $0x1;
	[dreg:$0x2] =	wrdreg s5  }
0xab: {  	[dreg:$0x3] =	wrdreg s7  }
0xac: {  	[dreg:$0x4] =	wrdreg $0xC0  }
0xad: {  	_ =	task [dreg:s9], $0x5FFFF  }
0xae: {  	[dreg:$0x1] =	wrdreg $0xFFFFFFFF  }
0xaf: {  	[dreg:$0x0] =	wrdreg $0x60  }
0xb0: {  	[dreg:$0x2] =	wrdreg s24  }
0xb1: {  	[dreg:$0x3] =	wrdreg s2  }
0xb2: {  	[dreg:$0x4] =	wrdreg s18  }
0xb3: {  	[dreg:$0x5] =	wrdreg s4  }
0xb4: {  	[dreg:$0x6] =	wrdreg $0x9  }
0xb5: {  	_ =	task.clear_ibuf [dreg:s9], $0x7FFFF;
	_ =	strace $0x90000046  }
0xb6: {  	s29 =	simm.s32 $0x9;
	_ =	strace $0x80000048  }
0xb7: {  	_ =	swait.ge [sflag:s29], $0x1  }
0xb8: {  	[sflag:s29] =	ssyncadd.s32 $0xFFFFFFFF  }
0xb9: {  	_ =	strace $0x90000048  }
0xba: {  	_ =	sfence  }
0xbb: {  	s30 =	sld [smem:$0x0];
	_ =	sdelay $0x2  }
0xbc: {  	s31 =	sshll.u32 s1, $0xD;
	s1 =	sshrl.u32 s1, $0x2  }
0xbd: {  	s3 =	sand.u32 $0x4000, s31;
	s1 =	sadd.s32 s1, s30  }
0xbe: {  	s0 =	sor.u32 s3, s0;
	s1 =	sshll.u32 s1, $0x11  }
0xbf: {  	s0 =	sor.u32 s1, s0  }
0xc0: {  	s0 =	sadd.s32 $0x8F2B, s0  }
0xc1: {  	[sflag:s0] =	ssyncadd.remote.s32 $0x1  }
0xc2: {  	_ =	sfence.sel $0xFFFF  }
0xc3: {  	[dreg:$0x0] =	wrdreg $0xFFFFFFFF;
	(pc) =	sbr.abs _section_cstart, $3  }
0xc4: {  	[dreg:$0x1] =	wrdreg $0xFFFFFFFF  }
0xc5: {  	_ =	task.clear_ibuf [dreg:s9], $0x2FFFF;
	_ =	strace $0x9FFFFFFF  }
0xc6: {  	(tm) =	ssettm $0x7FFFFFFF  }
0xc7: {  	_ =	shalt  }
tec
execute0_lowered:
.L_overlay_start_1:
0x0: {  	(tag) =	ssettag $0x1  }
0x1: {  	s0 =	rddreg [dreg:$0x0]  }
0x2: {  	s1 =	rddreg [dreg:$0x1];
	s4 =	simm.s32 $0x0  }
0x3: {  	s2 =	srdreg.scid;
	s7 =	stileid.u32;
	s11 =	simm.s32 $0x2  }
0x4: {  	s12 =	simm.s32 $0x80;
	s13 =	simm.s32 $0x680;
	s15 =	simm.s32 $0x700  }
0x5: {  	s18 =	simm.s32 $0x780;
	s21 =	simm.s32 $0x800;
	s24 =	simm.s32 $0x880  }
0x6: {  	s28 =	simm.s32 $0x900;
	s31 =	simm.s32 $0x980;
	s17 =	simm.s32 $0xB00  }
0x7: {  	s22 =	simm.s32 $0xB80;
	s26 =	simm.s32 $0xC00;
	s9 =	simm.s32 $0x1  }
0x8: {  	s14 =	simm.s32 $0x7B90;
	s10 =	simm.s32 $0x0;
	s2 =	sand.u32 $0x1, s2  }
0x9: {  	[smem:$0x7FF] =	sst s4;
	s6 =	sadd.s32 $0x600, s0;
	s3 =	ssub.s32 $0x2, s2  }
0xa: {  	s8 =	sshll.u32 s7, $0xA;
	s7 =	sadd.s32 $0x27ACA00, s0;
	s5 =	sshrl.u32 s3, $0x1  }
0xb: {  	_ =	strace $0x80000047;
	s2 =	sshll.u32 s2, $0x9;
	s30 =	ssub.s32 s3, s5  }
0xc: {  	vm0 =	vcmask $0x2700;
	v1 =	vimm.f32 $0.0e+00;
	s8 =	sor.u32 s2, s8;
	s2 =	simm.s32 $0xA00;
	s0 =	smax.u32 s30, $0x1  }
0xd: {  	v0 =	vlaneseq.u32;
	v1 =	vsel vm0, $0x3F800000, v1;
	vm0 =	vcmask $0x3F3C;
	s3 =	simm.s32 $0xA80;
	[dreg:$0x5] =	wrdreg s0;
	s0 =	simm.s32 $0xC80  }
.LBB2_1:
0xe: {  	[dreg:$0x6] =	wrdreg s10  }
0xf: {  	s5 =	rddreg [dreg:$0x2];
	s30 =	simm.s32 $0x7BD0  }
0x10: {  	[tilespmem:s30], [sflag:$0x2] =	stream.linear.gather [hbm4b:s5+s4], $0x1, $0x38;
	[tilespmem:$0x7BE0] =	vst v63  }
0x11: {  	_ =	swait.ge [sflag:s11], $0x1  }
0x12: {  	[sflag:s11] =	ssyncset.done $0x0  }
0x13: {  	[sflag:s11] =	ssyncadd.s32 $0xFFFFFFFF  }
0x14: {  	s16 =	simm.s32 $0x0;
	v2 =	vld.msk [tilespmem:$0x7BD0 ss:$0x0], $0xffff  }
.LBB2_2:
0x15: {  	s19 =	sshll.u32 s16, $0x6  }
0x16: {  	s19 =	sadd.s32 s8, s19  }
0x17: {  	s20 =	smul.u32 $0x1A, s19;
	_ =	sdelay $0x1  }
0x18: {  	s20 =	sshrl.u32 s20, $0x3  }
0x19: {  	s23 =	simm.s32 $0x0;
	s20 =	sadd.s32 s6, s20  }
0x1a: {  	v3 =	vor.u32 s23, v0;
	[tilespmem:s4], [sflag:$0x2] =	stream.linear.gather [hbm4b:s20+s4], $0x680, $0x38;
	[tilespmem:$0x7BE0] =	vst v63  }
0x1b: {  	v4 =	vmulhi.u32 $0x4EC4EC4F, v3;
	_ =	swait.ge [sflag:s11], $0x680  }
0x1c: {  	[sflag:s11] =	ssyncset.done $0x0  }
0x1d: {  	s23 =	simm.s32 $0x40;
	v4 =	vshrl.u32 v4, $0x3;
	[sflag:s11] =	ssyncadd.s32 $0xFFFFF980  }
0x1e: {  	v4 =	vmul.u32 $0x1A, v4;
	v5 =	vld [tilespmem:s23+$0xFFFFFFC0];
	_ =	sdelay $0x1  }
0x1f: {  	s5 =	simm.s32 $0x10;
	v3 =	vsub.s32 v3, v4  }
0x20: {  	v4 =	vor.u32 s5, v0;
	v3 =	vmul.u32 $0x186A0, v3  }
0x21: {  	v6 =	vmulhi.u32 $0x4EC4EC4F, v4  }
0x22: {  	s20 =	simm.s32 $0x6C0;
	v3 =	vadd.s32 v3, v5  }
0x23: {  	[tilespmem:s20+$0xFFFFFFC0] =	vst v3;
	v3 =	vshrl.u32 v6, $0x3  }
0x24: {  	v3 =	vmul.u32 $0x1A, v3;
	v5 =	vld [tilespmem:s23+$0xFFFFFFD0];
	_ =	sdelay $0x1  }
0x25: {  	s25 =	simm.s32 $0x20;
	v3 =	vsub.s32 v4, v3  }
0x26: {  	v4 =	vor.u32 s25, v0;
	v3 =	vmul.u32 $0x186A0, v3  }
0x27: {  	v6 =	vmulhi.u32 $0x4EC4EC4F, v4  }
0x28: {  	v3 =	vadd.s32 v3, v5  }
0x29: {  	[tilespmem:s20+$0xFFFFFFD0] =	vst v3;
	v3 =	vshrl.u32 v6, $0x3  }
0x2a: {  	v3 =	vmul.u32 $0x1A, v3;
	v5 =	vld [tilespmem:s23+$0xFFFFFFE0];
	_ =	sdelay $0x1  }
0x2b: {  	s10 =	simm.s32 $0x30;
	v3 =	vsub.s32 v4, v3  }
0x2c: {  	v4 =	vor.u32 s10, v0;
	v3 =	vmul.u32 $0x186A0, v3  }
0x2d: {  	v6 =	vmulhi.u32 $0x4EC4EC4F, v4  }
0x2e: {  	v3 =	vadd.s32 v3, v5  }
0x2f: {  	[tilespmem:s20+$0xFFFFFFE0] =	vst v3;
	v3 =	vshrl.u32 v6, $0x3  }
0x30: {  	v3 =	vmul.u32 $0x1A, v3;
	v5 =	vld [tilespmem:s23+$0xFFFFFFF0];
	_ =	sdelay $0x1  }
0x31: {  	s5 =	simm.s32 $0x40;
	v3 =	vsub.s32 v4, v3  }
0x32: {  	v4 =	vor.u32 s5, v0;
	v3 =	vmul.u32 $0x186A0, v3  }
0x33: {  	v6 =	vmulhi.u32 $0x4EC4EC4F, v4  }
0x34: {  	v3 =	vadd.s32 v3, v5  }
0x35: {  	[tilespmem:s20+$0xFFFFFFF0] =	vst v3;
	v3 =	vshrl.u32 v6, $0x3  }
0x36: {  	v3 =	vmul.u32 $0x1A, v3;
	v5 =	vld [tilespmem:s23+$0x0];
	_ =	sdelay $0x1  }
0x37: {  	s10 =	simm.s32 $0x50;
	v3 =	vsub.s32 v4, v3  }
0x38: {  	v4 =	vor.u32 s10, v0;
	v3 =	vmul.u32 $0x186A0, v3  }
0x39: {  	v6 =	vmulhi.u32 $0x4EC4EC4F, v4  }
0x3a: {  	v3 =	vadd.s32 v3, v5  }
0x3b: {  	[tilespmem:s20+$0x0] =	vst v3;
	v3 =	vshrl.u32 v6, $0x3  }
0x3c: {  	v3 =	vmul.u32 $0x1A, v3;
	v5 =	vld [tilespmem:s23+$0x10];
	_ =	sdelay $0x1  }
0x3d: {  	s5 =	simm.s32 $0x60;
	v3 =	vsub.s32 v4, v3  }
0x3e: {  	v4 =	vor.u32 s5, v0;
	v3 =	vmul.u32 $0x186A0, v3  }
0x3f: {  	v6 =	vmulhi.u32 $0x4EC4EC4F, v4  }
0x40: {  	v3 =	vadd.s32 v3, v5  }
0x41: {  	[tilespmem:s20+$0x10] =	vst v3;
	v3 =	vshrl.u32 v6, $0x3  }
0x42: {  	v3 =	vmul.u32 $0x1A, v3;
	v5 =	vld [tilespmem:s23+$0x20];
	_ =	sdelay $0x1  }
0x43: {  	s10 =	simm.s32 $0x70;
	v3 =	vsub.s32 v4, v3  }
0x44: {  	v6 =	vor.u32 s10, v0;
	v3 =	vmul.u32 $0x186A0, v3  }
0x45: {  	v4 =	vmulhi.u32 $0x4EC4EC4F, v6  }
0x46: {  	v3 =	vadd.s32 v3, v5  }
0x47: {  	v4 =	vshrl.u32 v4, $0x3;
	[tilespmem:s20+$0x20] =	vst v3  }
0x48: {  	v4 =	vmul.u32 $0x1A, v4;
	v3 =	vld [tilespmem:s23+$0x30];
	_ =	sdelay $0x1  }
0x49: {  	s30 =	simm.s32 $0x80;
	s29 =	simm.s32 $0x170;
	s25 =	simm.s32 $0xF0;
	v4 =	vsub.s32 v6, v4  }
.LBB2_3:
0x4a: {  	p0 =	sne.s32 s29, $0x670;
	v5 =	vor.u32 s30, v0;
	v4 =	vmul.u32 $0x186A0, v4  }
0x4b: {  	v6 =	vmulhi.u32 $0x4EC4EC4F, v5  }
0x4c: {  	v3 =	vadd.s32 v4, v3  }
0x4d: {  	s23 =	sadd.s32 $0x80, s23;
	v4 =	vshrl.u32 v6, $0x3;
	[tilespmem:s20+$0x30] =	vst v3  }
0x4e: {  	v3 =	vmul.u32 $0x1A, v4;
	v4 =	vld [tilespmem:s23+$0xFFFFFFC0];
	_ =	sdelay $0x1  }
0x4f: {  	s30 =	sadd.s32 $0xFFFFFFA0, s25;
	v3 =	vsub.s32 v5, v3  }
0x50: {  	v5 =	vor.u32 s30, v0;
	v3 =	vmul.u32 $0x186A0, v3  }
0x51: {  	v6 =	vmulhi.u32 $0x4EC4EC4F, v5  }
0x52: {  	s20 =	sadd.s32 $0x80, s20;
	v3 =	vadd.s32 v3, v4  }
0x53: {  	[tilespmem:s20+$0xFFFFFFC0] =	vst v3;
	v3 =	vshrl.u32 v6, $0x3  }
0x54: {  	v3 =	vmul.u32 $0x1A, v3;
	v4 =	vld [tilespmem:s23+$0xFFFFFFD0];
	_ =	sdelay $0x1  }
0x55: {  	s30 =	sadd.s32 $0xFFFFFFB0, s25;
	v3 =	vsub.s32 v5, v3  }
0x56: {  	v5 =	vor.u32 s30, v0;
	v3 =	vmul.u32 $0x186A0, v3  }
0x57: {  	v6 =	vmulhi.u32 $0x4EC4EC4F, v5  }
0x58: {  	v3 =	vadd.s32 v3, v4  }
0x59: {  	[tilespmem:s20+$0xFFFFFFD0] =	vst v3;
	v3 =	vshrl.u32 v6, $0x3  }
0x5a: {  	v3 =	vmul.u32 $0x1A, v3;
	v4 =	vld [tilespmem:s23+$0xFFFFFFE0];
	_ =	sdelay $0x1  }
0x5b: {  	s30 =	sadd.s32 $0xFFFFFFC0, s25;
	v3 =	vsub.s32 v5, v3  }
0x5c: {  	v5 =	vor.u32 s30, v0;
	v3 =	vmul.u32 $0x186A0, v3  }
0x5d: {  	v6 =	vmulhi.u32 $0x4EC4EC4F, v5  }
0x5e: {  	v3 =	vadd.s32 v3, v4  }
0x5f: {  	[tilespmem:s20+$0xFFFFFFE0] =	vst v3;
	v3 =	vshrl.u32 v6, $0x3  }
0x60: {  	v3 =	vmul.u32 $0x1A, v3;
	v4 =	vld [tilespmem:s23+$0xFFFFFFF0];
	_ =	sdelay $0x1  }
0x61: {  	s30 =	sadd.s32 $0xFFFFFFD0, s25;
	v3 =	vsub.s32 v5, v3  }
0x62: {  	v5 =	vor.u32 s30, v0;
	v3 =	vmul.u32 $0x186A0, v3  }
0x63: {  	v6 =	vmulhi.u32 $0x4EC4EC4F, v5  }
0x64: {  	v3 =	vadd.s32 v3, v4  }
0x65: {  	[tilespmem:s20+$0xFFFFFFF0] =	vst v3;
	v3 =	vshrl.u32 v6, $0x3  }
0x66: {  	v3 =	vmul.u32 $0x1A, v3;
	v4 =	vld [tilespmem:s23+$0x0];
	_ =	sdelay $0x1  }
0x67: {  	s30 =	sadd.s32 $0xFFFFFFE0, s25;
	v3 =	vsub.s32 v5, v3  }
0x68: {  	v5 =	vor.u32 s30, v0;
	v3 =	vmul.u32 $0x186A0, v3  }
0x69: {  	v6 =	vmulhi.u32 $0x4EC4EC4F, v5  }
0x6a: {  	v3 =	vadd.s32 v3, v4  }
0x6b: {  	[tilespmem:s20+$0x0] =	vst v3;
	v3 =	vshrl.u32 v6, $0x3  }
0x6c: {  	v3 =	vmul.u32 $0x1A, v3;
	v4 =	vld [tilespmem:s23+$0x10];
	_ =	sdelay $0x1  }
0x6d: {  	s30 =	sadd.s32 $0xFFFFFFF0, s25;
	v3 =	vsub.s32 v5, v3  }
0x6e: {  	v5 =	vor.u32 s30, v0;
	v3 =	vmul.u32 $0x186A0, v3  }
0x6f: {  	v6 =	vmulhi.u32 $0x4EC4EC4F, v5  }
0x70: {  	v3 =	vadd.s32 v3, v4  }
0x71: {  	[tilespmem:s20+$0x10] =	vst v3;
	v3 =	vshrl.u32 v6, $0x3  }
0x72: {  	v3 =	vmul.u32 $0x1A, v3;
	v4 =	vld [tilespmem:s23+$0x20];
	_ =	sdelay $0x1  }
0x73: {  	v3 =	vsub.s32 v5, v3  }
0x74: {  	v5 =	vor.u32 s25, v0;
	s25 =	smov.u32 s29;
	v3 =	vmul.u32 $0x186A0, v3  }
0x75: {  	v6 =	vmulhi.u32 $0x4EC4EC4F, v5  }
.Ltmp0:
0x76: {  	v3 =	vadd.s32 v3, v4;
	(pc) =	sbr.rel @p0 .LBB2_3-.Ltmp0, $3  }
0x77: {  	[tilespmem:s20+$0x20] =	vst v3;
	v3 =	vshrl.u32 v6, $0x3  }
0x78: {  	v4 =	vmul.u32 $0x1A, v3;
	v3 =	vld [tilespmem:s23+$0x30];
	_ =	sdelay $0x1  }
0x79: {  	s29 =	sadd.s32 $0x80, s29;
	s30 =	sadd.s32 $0xFFFFFF90, s25;
	v4 =	vsub.s32 v5, v4  }
0x7a: {  	v5 =	vor.u32 s30, v0;
	v4 =	vmul.u32 $0x186A0, v4  }
0x7b: {  	v6 =	vmulhi.u32 $0x4EC4EC4F, v5  }
0x7c: {  	v3 =	vadd.s32 v4, v3  }
0x7d: {  	s23 =	sadd.s32 $0x80, s23;
	v4 =	vshrl.u32 v6, $0x3;
	[tilespmem:s20+$0x30] =	vst v3  }
0x7e: {  	v3 =	vmul.u32 $0x1A, v4;
	v4 =	vld [tilespmem:s23+$0xFFFFFFC0];
	_ =	sdelay $0x1  }
0x7f: {  	s29 =	sadd.s32 $0xFFFFFFA0, s25;
	v3 =	vsub.s32 v5, v3  }
0x80: {  	v5 =	vor.u32 s29, v0;
	v3 =	vmul.u32 $0x186A0, v3  }
0x81: {  	v6 =	vmulhi.u32 $0x4EC4EC4F, v5  }
0x82: {  	s5 =	sadd.s32 $0x80, s20;
	v3 =	vadd.s32 v3, v4  }
0x83: {  	[tilespmem:s5+$0xFFFFFFC0] =	vst v3;
	v3 =	vshrl.u32 v6, $0x3  }
0x84: {  	v3 =	vmul.u32 $0x1A, v3;
	v4 =	vld [tilespmem:s23+$0xFFFFFFD0];
	_ =	sdelay $0x1  }
0x85: {  	s29 =	sadd.s32 $0xFFFFFFB0, s25;
	v3 =	vsub.s32 v5, v3  }
0x86: {  	v5 =	vor.u32 s29, v0;
	v3 =	vmul.u32 $0x186A0, v3  }
0x87: {  	v6 =	vmulhi.u32 $0x4EC4EC4F, v5  }
0x88: {  	v3 =	vadd.s32 v3, v4  }
0x89: {  	[tilespmem:s5+$0xFFFFFFD0] =	vst v3;
	v3 =	vshrl.u32 v6, $0x3  }
0x8a: {  	v3 =	vmul.u32 $0x1A, v3;
	v4 =	vld [tilespmem:s23+$0xFFFFFFE0];
	_ =	sdelay $0x1  }
0x8b: {  	s29 =	sadd.s32 $0xFFFFFFC0, s25;
	v3 =	vsub.s32 v5, v3  }
0x8c: {  	v5 =	vor.u32 s29, v0;
	v3 =	vmul.u32 $0x186A0, v3  }
0x8d: {  	v6 =	vmulhi.u32 $0x4EC4EC4F, v5  }
0x8e: {  	v3 =	vadd.s32 v3, v4  }
0x8f: {  	[tilespmem:s5+$0xFFFFFFE0] =	vst v3;
	v3 =	vshrl.u32 v6, $0x3  }
0x90: {  	v3 =	vmul.u32 $0x1A, v3;
	v4 =	vld [tilespmem:s23+$0xFFFFFFF0];
	_ =	sdelay $0x1  }
0x91: {  	s29 =	sadd.s32 $0xFFFFFFD0, s25;
	v3 =	vsub.s32 v5, v3  }
0x92: {  	v5 =	vor.u32 s29, v0;
	v3 =	vmul.u32 $0x186A0, v3  }
0x93: {  	v6 =	vmulhi.u32 $0x4EC4EC4F, v5  }
0x94: {  	v3 =	vadd.s32 v3, v4  }
0x95: {  	[tilespmem:s5+$0xFFFFFFF0] =	vst v3;
	v3 =	vshrl.u32 v6, $0x3  }
0x96: {  	v3 =	vmul.u32 $0x1A, v3;
	v4 =	vld [tilespmem:s23+$0x0];
	_ =	sdelay $0x1  }
0x97: {  	s29 =	sadd.s32 $0xFFFFFFE0, s25;
	v3 =	vsub.s32 v5, v3  }
0x98: {  	v5 =	vor.u32 s29, v0;
	v3 =	vmul.u32 $0x186A0, v3  }
0x99: {  	v6 =	vmulhi.u32 $0x4EC4EC4F, v5  }
0x9a: {  	v3 =	vadd.s32 v3, v4  }
0x9b: {  	[tilespmem:s5+$0x0] =	vst v3;
	v3 =	vshrl.u32 v6, $0x3  }
0x9c: {  	v3 =	vmul.u32 $0x1A, v3;
	v4 =	vld [tilespmem:s23+$0x10];
	_ =	sdelay $0x1  }
0x9d: {  	s29 =	sadd.s32 $0xFFFFFFF0, s25;
	v3 =	vsub.s32 v5, v3  }
0x9e: {  	v5 =	vor.u32 s29, v0;
	v3 =	vmul.u32 $0x186A0, v3  }
0x9f: {  	v6 =	vmulhi.u32 $0x4EC4EC4F, v5  }
0xa0: {  	v3 =	vadd.s32 v3, v4  }
0xa1: {  	[tilespmem:s5+$0x10] =	vst v3;
	v3 =	vshrl.u32 v6, $0x3  }
0xa2: {  	v3 =	vmul.u32 $0x1A, v3;
	v4 =	vld [tilespmem:s23+$0x20];
	_ =	sdelay $0x1  }
0xa3: {  	v3 =	vsub.s32 v5, v3  }
0xa4: {  	v5 =	vor.u32 s25, v0;
	v3 =	vmul.u32 $0x186A0, v3  }
0xa5: {  	v6 =	vmulhi.u32 $0x4EC4EC4F, v5  }
0xa6: {  	v3 =	vadd.s32 v3, v4  }
0xa7: {  	[tilespmem:s5+$0x20] =	vst v3;
	v3 =	vshrl.u32 v6, $0x3  }
0xa8: {  	v3 =	vmul.u32 $0x1A, v3;
	v4 =	vld [tilespmem:s23+$0x30];
	_ =	sdelay $0x1  }
0xa9: {  	v3 =	vsub.s32 v5, v3  }
0xaa: {  	v3 =	vmul.u32 $0x186A0, v3;
	_ =	sdelay $0x1  }
0xab: {  	v3 =	vadd.s32 v3, v4  }
0xac: {  	[tilespmem:s5+$0x30] =	vst v3;
	s5 =	simm.s32 $0xD00  }
0xad: {  	[tilespmem:s5], [sflag:$0x1] =	stream.indirect.gather [hbm4b:s7+s12], $0x10, s13, s12, $0xb8;
	[tilespmem:$0x7BE0] =	vst v63  }
0xae: {  	s20 =	simm.s32 $0x7500  }
0xaf: {  	[tilespmem:s20], [sflag:$0x1] =	stream.indirect.gather [hbm4b:s1+s12], $0x1, s13, s12, $0xb8;
	[tilespmem:$0x7BE0] =	vst v63  }
0xb0: {  	s10 =	simm.s32 $0x1500  }
0xb1: {  	[tilespmem:s10], [sflag:$0x1] =	stream.indirect.gather [hbm4b:s7+s12], $0x10, s15, s12, $0xb8;
	[tilespmem:$0x7BE0] =	vst v63  }
0xb2: {  	s23 =	simm.s32 $0x7580  }
0xb3: {  	[tilespmem:s23], [sflag:$0x1] =	stream.indirect.gather [hbm4b:s1+s12], $0x1, s15, s12, $0xb8;
	[tilespmem:$0x7BE0] =	vst v63  }
0xb4: {  	s25 =	simm.s32 $0x1D00  }
0xb5: {  	[tilespmem:s25], [sflag:$0x1] =	stream.indirect.gather [hbm4b:s7+s12], $0x10, s18, s12, $0xb8;
	[tilespmem:$0x7BE0] =	vst v63  }
0xb6: {  	s10 =	simm.s32 $0x7600  }
0xb7: {  	[tilespmem:s10], [sflag:$0x1] =	stream.indirect.gather [hbm4b:s1+s12], $0x1, s18, s12, $0xb8;
	[tilespmem:$0x7BE0] =	vst v63  }
0xb8: {  	s23 =	simm.s32 $0x2500  }
0xb9: {  	[tilespmem:s23], [sflag:$0x1] =	stream.indirect.gather [hbm4b:s7+s12], $0x10, s21, s12, $0xb8;
	[tilespmem:$0x7BE0] =	vst v63  }
0xba: {  	s25 =	simm.s32 $0x7680  }
0xbb: {  	[tilespmem:s25], [sflag:$0x1] =	stream.indirect.gather [hbm4b:s1+s12], $0x1, s21, s12, $0xb8;
	[tilespmem:$0x7BE0] =	vst v63  }
0xbc: {  	s10 =	simm.s32 $0x2D00  }
0xbd: {  	[tilespmem:s10], [sflag:$0x1] =	stream.indirect.gather [hbm4b:s7+s12], $0x10, s24, s12, $0xb8;
	[tilespmem:$0x7BE0] =	vst v63  }
0xbe: {  	s23 =	simm.s32 $0x7700  }
0xbf: {  	[tilespmem:s23], [sflag:$0x1] =	stream.indirect.gather [hbm4b:s1+s12], $0x1, s24, s12, $0xb8;
	[tilespmem:$0x7BE0] =	vst v63  }
0xc0: {  	s25 =	simm.s32 $0x3500  }
0xc1: {  	[tilespmem:s25], [sflag:$0x1] =	stream.indirect.gather [hbm4b:s7+s12], $0x10, s28, s12, $0xb8;
	[tilespmem:$0x7BE0] =	vst v63  }
0xc2: {  	s10 =	simm.s32 $0x7780  }
0xc3: {  	[tilespmem:s10], [sflag:$0x1] =	stream.indirect.gather [hbm4b:s1+s12], $0x1, s28, s12, $0xb8;
	[tilespmem:$0x7BE0] =	vst v63  }
0xc4: {  	s23 =	simm.s32 $0x3D00  }
0xc5: {  	[tilespmem:s23], [sflag:$0x1] =	stream.indirect.gather [hbm4b:s7+s12], $0x10, s31, s12, $0xb8;
	[tilespmem:$0x7BE0] =	vst v63  }
0xc6: {  	s25 =	simm.s32 $0x7800  }
0xc7: {  	[tilespmem:s25], [sflag:$0x1] =	stream.indirect.gather [hbm4b:s1+s12], $0x1, s31, s12, $0xb8;
	[tilespmem:$0x7BE0] =	vst v63  }
0xc8: {  	s10 =	simm.s32 $0x4500  }
0xc9: {  	[tilespmem:s10], [sflag:$0x1] =	stream.indirect.gather [hbm4b:s7+s12], $0x10, s2, s12, $0xb8;
	[tilespmem:$0x7BE0] =	vst v63  }
0xca: {  	s23 =	simm.s32 $0x7880  }
0xcb: {  	[tilespmem:s23], [sflag:$0x1] =	stream.indirect.gather [hbm4b:s1+s12], $0x1, s2, s12, $0xb8;
	[tilespmem:$0x7BE0] =	vst v63  }
0xcc: {  	s25 =	simm.s32 $0x4D00  }
0xcd: {  	[tilespmem:s25], [sflag:$0x1] =	stream.indirect.gather [hbm4b:s7+s12], $0x10, s3, s12, $0xb8;
	[tilespmem:$0x7BE0] =	vst v63  }
0xce: {  	s10 =	simm.s32 $0x7900  }
0xcf: {  	[tilespmem:s10], [sflag:$0x1] =	stream.indirect.gather [hbm4b:s1+s12], $0x1, s3, s12, $0xb8;
	[tilespmem:$0x7BE0] =	vst v63  }
0xd0: {  	s23 =	simm.s32 $0x5500  }
0xd1: {  	[tilespmem:s23], [sflag:$0x1] =	stream.indirect.gather [hbm4b:s7+s12], $0x10, s17, s12, $0xb8;
	[tilespmem:$0x7BE0] =	vst v63  }
0xd2: {  	s25 =	simm.s32 $0x7980  }
0xd3: {  	[tilespmem:s25], [sflag:$0x1] =	stream.indirect.gather [hbm4b:s1+s12], $0x1, s17, s12, $0xb8;
	[tilespmem:$0x7BE0] =	vst v63  }
0xd4: {  	s10 =	simm.s32 $0x5D00  }
0xd5: {  	[tilespmem:s10], [sflag:$0x1] =	stream.indirect.gather [hbm4b:s7+s12], $0x10, s22, s12, $0xb8;
	[tilespmem:$0x7BE0] =	vst v63  }
0xd6: {  	s23 =	simm.s32 $0x7A00  }
0xd7: {  	[tilespmem:s23], [sflag:$0x1] =	stream.indirect.gather [hbm4b:s1+s12], $0x1, s22, s12, $0xb8;
	[tilespmem:$0x7BE0] =	vst v63  }
0xd8: {  	s25 =	simm.s32 $0x6500  }
0xd9: {  	[tilespmem:s25], [sflag:$0x1] =	stream.indirect.gather [hbm4b:s7+s12], $0x10, s26, s12, $0xb8;
	[tilespmem:$0x7BE0] =	vst v63  }
0xda: {  	s10 =	simm.s32 $0x7A80  }
0xdb: {  	[tilespmem:s10], [sflag:$0x1] =	stream.indirect.gather [hbm4b:s1+s12], $0x1, s26, s12, $0xb8;
	[tilespmem:$0x7BE0] =	vst v63  }
0xdc: {  	s23 =	simm.s32 $0x6D00  }
0xdd: {  	[tilespmem:s23], [sflag:$0x1] =	stream.indirect.gather [hbm4b:s7+s12], $0x10, s0, s12, $0xb8;
	[tilespmem:$0x7BE0] =	vst v63  }
0xde: {  	s25 =	simm.s32 $0x7B00  }
0xdf: {  	[tilespmem:s25], [sflag:$0x1] =	stream.indirect.gather [hbm4b:s1+s12], $0x1, s0, s12, $0xb8;
	[tilespmem:$0x7BE0] =	vst v63  }
0xe0: {  	_ =	swait.ge [sflag:s9], $0x800  }
0xe1: {  	[sflag:s9] =	ssyncset.done $0x0  }
0xe2: {  	[sflag:s9] =	ssyncadd.s32 $0xFFFFF800  }
0xe3: {  	_ =	swait.ge [sflag:s9], $0x80  }
0xe4: {  	[sflag:s9] =	ssyncset.done $0x0  }
0xe5: {  	[sflag:s9] =	ssyncadd.s32 $0xFFFFFF80  }
0xe6: {  	_ =	swait.ge [sflag:s9], $0x800  }
0xe7: {  	[sflag:s9] =	ssyncset.done $0x0  }
0xe8: {  	[sflag:s9] =	ssyncadd.s32 $0xFFFFF800  }
0xe9: {  	_ =	swait.ge [sflag:s9], $0x80  }
0xea: {  	[sflag:s9] =	ssyncset.done $0x0  }
0xeb: {  	[sflag:s9] =	ssyncadd.s32 $0xFFFFFF80  }
0xec: {  	_ =	swait.ge [sflag:s9], $0x800  }
0xed: {  	[sflag:s9] =	ssyncset.done $0x0  }
0xee: {  	[sflag:s9] =	ssyncadd.s32 $0xFFFFF800  }
0xef: {  	_ =	swait.ge [sflag:s9], $0x80  }
0xf0: {  	[sflag:s9] =	ssyncset.done $0x0  }
0xf1: {  	[sflag:s9] =	ssyncadd.s32 $0xFFFFFF80  }
0xf2: {  	_ =	swait.ge [sflag:s9], $0x800  }
0xf3: {  	[sflag:s9] =	ssyncset.done $0x0  }
0xf4: {  	[sflag:s9] =	ssyncadd.s32 $0xFFFFF800  }
0xf5: {  	_ =	swait.ge [sflag:s9], $0x80  }
0xf6: {  	[sflag:s9] =	ssyncset.done $0x0  }
0xf7: {  	[sflag:s9] =	ssyncadd.s32 $0xFFFFFF80  }
0xf8: {  	_ =	swait.ge [sflag:s9], $0x800  }
0xf9: {  	[sflag:s9] =	ssyncset.done $0x0  }
0xfa: {  	[sflag:s9] =	ssyncadd.s32 $0xFFFFF800  }
0xfb: {  	_ =	swait.ge [sflag:s9], $0x80  }
0xfc: {  	[sflag:s9] =	ssyncset.done $0x0  }
0xfd: {  	[sflag:s9] =	ssyncadd.s32 $0xFFFFFF80  }
0xfe: {  	_ =	swait.ge [sflag:s9], $0x800  }
0xff: {  	[sflag:s9] =	ssyncset.done $0x0  }
0x100: {  	[sflag:s9] =	ssyncadd.s32 $0xFFFFF800  }
0x101: {  	_ =	swait.ge [sflag:s9], $0x80  }
0x102: {  	[sflag:s9] =	ssyncset.done $0x0  }
0x103: {  	[sflag:s9] =	ssyncadd.s32 $0xFFFFFF80  }
0x104: {  	_ =	swait.ge [sflag:s9], $0x800  }
0x105: {  	[sflag:s9] =	ssyncset.done $0x0  }
0x106: {  	[sflag:s9] =	ssyncadd.s32 $0xFFFFF800  }
0x107: {  	_ =	swait.ge [sflag:s9], $0x80  }
0x108: {  	[sflag:s9] =	ssyncset.done $0x0  }
0x109: {  	[sflag:s9] =	ssyncadd.s32 $0xFFFFFF80  }
0x10a: {  	_ =	swait.ge [sflag:s9], $0x800  }
0x10b: {  	[sflag:s9] =	ssyncset.done $0x0  }
0x10c: {  	[sflag:s9] =	ssyncadd.s32 $0xFFFFF800  }
0x10d: {  	_ =	swait.ge [sflag:s9], $0x80  }
0x10e: {  	[sflag:s9] =	ssyncset.done $0x0  }
0x10f: {  	[sflag:s9] =	ssyncadd.s32 $0xFFFFFF80  }
0x110: {  	_ =	swait.ge [sflag:s9], $0x800  }
0x111: {  	[sflag:s9] =	ssyncset.done $0x0  }
0x112: {  	[sflag:s9] =	ssyncadd.s32 $0xFFFFF800  }
0x113: {  	_ =	swait.ge [sflag:s9], $0x80  }
0x114: {  	[sflag:s9] =	ssyncset.done $0x0  }
0x115: {  	[sflag:s9] =	ssyncadd.s32 $0xFFFFFF80  }
0x116: {  	_ =	swait.ge [sflag:s9], $0x800  }
0x117: {  	[sflag:s9] =	ssyncset.done $0x0  }
0x118: {  	[sflag:s9] =	ssyncadd.s32 $0xFFFFF800  }
0x119: {  	_ =	swait.ge [sflag:s9], $0x80  }
0x11a: {  	[sflag:s9] =	ssyncset.done $0x0  }
0x11b: {  	[sflag:s9] =	ssyncadd.s32 $0xFFFFFF80  }
0x11c: {  	_ =	swait.ge [sflag:s9], $0x800  }
0x11d: {  	[sflag:s9] =	ssyncset.done $0x0  }
0x11e: {  	[sflag:s9] =	ssyncadd.s32 $0xFFFFF800  }
0x11f: {  	_ =	swait.ge [sflag:s9], $0x80  }
0x120: {  	[sflag:s9] =	ssyncset.done $0x0  }
0x121: {  	[sflag:s9] =	ssyncadd.s32 $0xFFFFFF80  }
0x122: {  	_ =	swait.ge [sflag:s9], $0x800  }
0x123: {  	[sflag:s9] =	ssyncset.done $0x0  }
0x124: {  	[sflag:s9] =	ssyncadd.s32 $0xFFFFF800  }
0x125: {  	_ =	swait.ge [sflag:s9], $0x80  }
0x126: {  	[sflag:s9] =	ssyncset.done $0x0  }
0x127: {  	[sflag:s9] =	ssyncadd.s32 $0xFFFFFF80  }
0x128: {  	_ =	swait.ge [sflag:s9], $0x800  }
0x129: {  	[sflag:s9] =	ssyncset.done $0x0  }
0x12a: {  	[sflag:s9] =	ssyncadd.s32 $0xFFFFF800  }
0x12b: {  	_ =	swait.ge [sflag:s9], $0x80  }
0x12c: {  	[sflag:s9] =	ssyncset.done $0x0  }
0x12d: {  	s10 =	simm.s32 $0xDD0;
	[sflag:s9] =	ssyncadd.s32 $0xFFFFFF80  }
0x12e: {  	v3 =	vld [tilespmem:s10+$0xFFFFFF30]  }
0x12f: {  	v4 =	vld [tilespmem:s10+$0xFFFFFF40];
	_ =	sdelay $0x1  }
0x130: {  	v5 =	vld [tilespmem:s10+$0xFFFFFF50];
	_ =	sdelay $0x1  }
0x131: {  	v6 =	vld [tilespmem:s10+$0xFFFFFF60]  }
0x132: {  	v7 =	vadd.f32 v4, v3;
	v3 =	vmul.f32 v3, v3;
	v4 =	vmul.f32 v4, v4  }
0x133: {  	v8 =	vld [tilespmem:s10+$0xFFFFFF70]  }
0x134: {  	v7 =	vadd.f32 v5, v7;
	v3 =	vadd.f32 v4, v3;
	v4 =	vmul.f32 v5, v5  }
0x135: {  	v5 =	vld [tilespmem:s10+$0xFFFFFF80]  }
0x136: {  	v7 =	vadd.f32 v6, v7;
	v3 =	vadd.f32 v4, v3;
	v4 =	vmul.f32 v6, v6  }
0x137: {  	v6 =	vld [tilespmem:s10+$0xFFFFFF90]  }
0x138: {  	v7 =	vadd.f32 v8, v7;
	v3 =	vadd.f32 v4, v3;
	v4 =	vmul.f32 v8, v8  }
0x139: {  	v57 =	vld [tilespmem:s10+$0xFFFFFFA0]  }
0x13a: {  	v7 =	vadd.f32 v5, v7;
	v3 =	vadd.f32 v4, v3;
	v4 =	vmul.f32 v5, v5  }
0x13b: {  	v5 =	vld [tilespmem:s10+$0xFFFFFFB0]  }
0x13c: {  	v7 =	vadd.f32 v6, v7;
	v3 =	vadd.f32 v4, v3;
	v4 =	vmul.f32 v6, v6  }
0x13d: {  	v6 =	vld [tilespmem:s10+$0xFFFFFFC0]  }
0x13e: {  	v7 =	vadd.f32 v57, v7;
	v3 =	vadd.f32 v4, v3;
	v4 =	vmul.f32 v57, v57  }
0x13f: {  	v58 =	vld [tilespmem:s10+$0xFFFFFFD0]  }
0x140: {  	v7 =	vadd.f32 v5, v7;
	v3 =	vadd.f32 v4, v3;
	v4 =	vmul.f32 v5, v5  }
0x141: {  	v5 =	vld [tilespmem:s10+$0xFFFFFFE0]  }
0x142: {  	v7 =	vadd.f32 v6, v7;
	v3 =	vadd.f32 v4, v3;
	v4 =	vmul.f32 v6, v6  }
0x143: {  	v6 =	vld [tilespmem:s10+$0xFFFFFFF0]  }
0x144: {  	v7 =	vadd.f32 v58, v7;
	v3 =	vadd.f32 v4, v3;
	v4 =	vmul.f32 v58, v58  }
0x145: {  	v59 =	vld [tilespmem:s10+$0x0]  }
0x146: {  	v7 =	vadd.f32 v5, v7;
	v3 =	vadd.f32 v4, v3;
	v4 =	vmul.f32 v5, v5  }
0x147: {  	v5 =	vld [tilespmem:s10+$0x10]  }
0x148: {  	v7 =	vadd.f32 v6, v7;
	v3 =	vadd.f32 v4, v3;
	v4 =	vmul.f32 v6, v6  }
0x149: {  	v6 =	vld [tilespmem:s10+$0x20]  }
0x14a: {  	v7 =	vadd.f32 v59, v7;
	v3 =	vadd.f32 v4, v3;
	v4 =	vmul.f32 v59, v59  }
0x14b: {  	v60 =	vld [tilespmem:s10+$0x30]  }
0x14c: {  	v7 =	vadd.f32 v5, v7;
	v3 =	vadd.f32 v4, v3;
	v4 =	vmul.f32 v5, v5  }
0x14d: {  	v5 =	vld [tilespmem:s10+$0x40]  }
0x14e: {  	v7 =	vadd.f32 v6, v7;
	v3 =	vadd.f32 v4, v3;
	v4 =	vmul.f32 v6, v6  }
0x14f: {  	v6 =	vld [tilespmem:s10+$0x50]  }
0x150: {  	v7 =	vadd.f32 v60, v7;
	v3 =	vadd.f32 v4, v3;
	v4 =	vmul.f32 v60, v60  }
0x151: {  	v61 =	vld [tilespmem:s10+$0x60]  }
0x152: {  	v7 =	vadd.f32 v5, v7;
	v3 =	vadd.f32 v4, v3;
	v4 =	vmul.f32 v5, v5  }
0x153: {  	v5 =	vld [tilespmem:s10+$0x70]  }
0x154: {  	v7 =	vadd.f32 v6, v7;
	v3 =	vadd.f32 v4, v3;
	v4 =	vmul.f32 v6, v6  }
0x155: {  	v6 =	vld [tilespmem:s10+$0x80]  }
0x156: {  	v7 =	vadd.f32 v61, v7;
	v3 =	vadd.f32 v4, v3;
	v4 =	vmul.f32 v61, v61  }
0x157: {  	s29 =	simm.s32 $0x10;
	s23 =	simm.s32 $0x0;
	v62 =	vld [tilespmem:s10+$0x90]  }
0x158: {  	s29 =	sand.u32 $0xFF8, s29;
	s30 =	sand.u32 $0x6, s23;
	v7 =	vadd.f32 v5, v7;
	v3 =	vadd.f32 v4, v3;
	v4 =	vmul.f32 v5, v5  }
0x159: {  	s29 =	sor.u32 s30, s29;
	v5 =	vld [tilespmem:s10+$0xA0]  }
0x15a: {  	v9 =	vld [tilespmem:s29+$0x7500];
	v7 =	vadd.f32 v6, v7;
	v3 =	vadd.f32 v4, v3;
	v4 =	vmul.f32 v6, v6  }
0x15b: {  	v6 =	vld [tilespmem:s10+$0xB0]  }
0x15c: {  	v10 =	vld [tilespmem:s20+$0x0];
	v7 =	vadd.f32 v62, v7;
	v3 =	vadd.f32 v4, v3;
	v4 =	vmul.f32 v62, v62  }
0x15d: {  	v63 =	vld [tilespmem:s10+$0xC0]  }
0x15e: {  	v7 =	vadd.f32 v5, v7;
	v3 =	vadd.f32 v4, v3;
	v4 =	vmul.f32 v5, v5  }
0x15f: {  	v5 =	vmul.f32 v1, v9  }
0x160: {  	v7 =	vadd.f32 v6, v7;
	v3 =	vadd.f32 v4, v3;
	v4 =	vmul.f32 v6, v6  }
0x161: {  	v5 =	vadd.f32 v5, v10  }
0x162: {  	v6 =	vadd.f32 v63, v7;
	v3 =	vadd.f32 v4, v3;
	v4 =	vmul.f32 v63, v63  }
0x163: {  	(xrf2) =	vadd.scan.msk.f32 $0xffff, v5  }
0x164: {  	(xrf2) =	vadd.scan.msk.f32 $0xffff, v6;
	v3 =	vadd.f32 v4, v3;
	_ =	sdelay $0x1  }
0x165: {  	(xrf2) =	vadd.scan.msk.f32 $0xffff, v3;
	_ =	sdelay $0x6  }
0x166: {  	v3, _, _ =	vpop (xrf2)  }
0x167: {  	v4, _, _ =	vpop (xrf2)  }
0x168: {  	v4 =	vmul.f32 v4, v4  }
0x169: {  	v5, _, _ =	vpop (xrf2)  }
0x16a: {  	v4 =	vsub.f32 v4, v5;
	_ =	sdelay $0x1  }
0x16b: {  	v3 =	vadd.f32 v3, v2;
	v4 =	vmul.f32 $5.000000000e-01, v4;
	_ =	sdelay $0x1  }
0x16c: {  	v3 =	vadd.f32 v3, v4;
	_ =	sdelay $0x1  }
0x16d: {  	v3 =	vsub.f32 $0.0e+00, v3;
	_ =	sdelay $0x1  }
0x16e: {  	v3 =	vmul.f32 $1.442695020e+00, v3;
	_ =	sdelay $0x1  }
0x16f: {  	(erf) = vpow2.f32 v3;
	_ =	sdelay $0x8  }
0x170: {  	v3 =	vpop (erf)  }
0x171: {  	v3 =	vadd.f32 $1.000000000e+00, v3;
	_ =	sdelay $0x1  }
0x172: {  	(erf) = vrcp.f32 v3;
	_ =	sdelay $0x4  }
0x173: {  	v3 =	vmov s23;
	_ =	sdelay $0x3  }
0x174: {  	v4 =	vpop (erf)  }
0x175: {  	s29 =	simm.s32 $0xF70;
	[tilespmem:v3+s14+$0x0] =	vst.idx.msk vm0, v4  }
0x176: {  	v3 =	vld [tilespmem:s29+$0xFFFFFF30]  }
0x177: {  	v4 =	vld [tilespmem:s29+$0xFFFFFF40]  }
0x178: {  	s25 =	simm.s32 $0x1;
	s30 =	simm.s32 $0x2  }
.LBB2_5:
0x179: {  	p0 =	sne.s32 s30, $0x3F;
	v5 =	vld [tilespmem:s29+$0xFFFFFF50];
	_ =	sdelay $0x1  }
0x17a: {  	v6 =	vld [tilespmem:s29+$0xFFFFFF60]  }
0x17b: {  	v7 =	vadd.f32 v4, v3  }
0x17c: {  	v3 =	vmul.f32 v3, v3;
	v4 =	vmul.f32 v4, v4;
	v8 =	vld [tilespmem:s29+$0xFFFFFF70]  }
0x17d: {  	v7 =	vadd.f32 v5, v7  }
0x17e: {  	v3 =	vadd.f32 v4, v3;
	v4 =	vmul.f32 v5, v5;
	v5 =	vld [tilespmem:s29+$0xFFFFFF80]  }
0x17f: {  	v7 =	vadd.f32 v6, v7  }
0x180: {  	v3 =	vadd.f32 v4, v3;
	v4 =	vmul.f32 v6, v6;
	v6 =	vld [tilespmem:s29+$0xFFFFFF90]  }
0x181: {  	v7 =	vadd.f32 v8, v7  }
0x182: {  	v3 =	vadd.f32 v4, v3;
	v4 =	vmul.f32 v8, v8;
	v8 =	vld [tilespmem:s29+$0xFFFFFFA0]  }
0x183: {  	v7 =	vadd.f32 v5, v7  }
0x184: {  	v3 =	vadd.f32 v4, v3;
	v4 =	vmul.f32 v5, v5;
	v5 =	vld [tilespmem:s29+$0xFFFFFFB0]  }
0x185: {  	v7 =	vadd.f32 v6, v7  }
0x186: {  	v3 =	vadd.f32 v4, v3;
	v4 =	vmul.f32 v6, v6;
	v6 =	vld [tilespmem:s29+$0xFFFFFFC0]  }
0x187: {  	v7 =	vadd.f32 v8, v7  }
0x188: {  	v3 =	vadd.f32 v4, v3;
	v4 =	vmul.f32 v8, v8;
	v8 =	vld [tilespmem:s29+$0xFFFFFFD0]  }
0x189: {  	v7 =	vadd.f32 v5, v7  }
0x18a: {  	v3 =	vadd.f32 v4, v3;
	v4 =	vmul.f32 v5, v5;
	v5 =	vld [tilespmem:s29+$0xFFFFFFE0]  }
0x18b: {  	v7 =	vadd.f32 v6, v7  }
0x18c: {  	v3 =	vadd.f32 v4, v3;
	v4 =	vmul.f32 v6, v6;
	v6 =	vld [tilespmem:s29+$0xFFFFFFF0]  }
0x18d: {  	v7 =	vadd.f32 v8, v7  }
0x18e: {  	v3 =	vadd.f32 v4, v3;
	v4 =	vmul.f32 v8, v8;
	v8 =	vld [tilespmem:s29+$0x0]  }
0x18f: {  	v7 =	vadd.f32 v5, v7  }
0x190: {  	v3 =	vadd.f32 v4, v3;
	v4 =	vmul.f32 v5, v5;
	v5 =	vld [tilespmem:s29+$0x10]  }
0x191: {  	v7 =	vadd.f32 v6, v7  }
0x192: {  	v3 =	vadd.f32 v4, v3;
	v4 =	vmul.f32 v6, v6;
	v6 =	vld [tilespmem:s29+$0x20]  }
0x193: {  	v7 =	vadd.f32 v8, v7  }
0x194: {  	v3 =	vadd.f32 v4, v3;
	v4 =	vmul.f32 v8, v8;
	v8 =	vld [tilespmem:s29+$0x30]  }
0x195: {  	v7 =	vadd.f32 v5, v7  }
0x196: {  	v3 =	vadd.f32 v4, v3;
	v4 =	vmul.f32 v5, v5;
	v5 =	vld [tilespmem:s29+$0x40]  }
0x197: {  	v7 =	vadd.f32 v6, v7  }
0x198: {  	v3 =	vadd.f32 v4, v3;
	v4 =	vmul.f32 v6, v6;
	v6 =	vld [tilespmem:s29+$0x50]  }
0x199: {  	v7 =	vadd.f32 v8, v7  }
0x19a: {  	v3 =	vadd.f32 v4, v3;
	v4 =	vmul.f32 v8, v8;
	v8 =	vld [tilespmem:s29+$0x60]  }
0x19b: {  	v7 =	vadd.f32 v5, v7  }
0x19c: {  	v3 =	vadd.f32 v4, v3;
	v4 =	vmul.f32 v5, v5;
	v5 =	vld [tilespmem:s29+$0x70]  }
0x19d: {  	s23 =	sadd.s32 $0x1A, s23;
	v7 =	vadd.f32 v6, v7  }
0x19e: {  	s5 =	sadd.s32 $0x10, s23;
	v3 =	vadd.f32 v4, v3;
	v4 =	vmul.f32 v6, v6;
	v6 =	vld [tilespmem:s29+$0x80]  }
0x19f: {  	s10 =	sand.u32 $0x6, s23;
	s5 =	sand.u32 $0xFF8, s5;
	v7 =	vadd.f32 v8, v7  }
0x1a0: {  	s5 =	sor.u32 s10, s5;
	v3 =	vadd.f32 v4, v3;
	v4 =	vmul.f32 v8, v8;
	v8 =	vld [tilespmem:s29+$0x90]  }
0x1a1: {  	v7 =	vadd.f32 v5, v7;
	v9 =	vld [tilespmem:s5+$0x7500]  }
0x1a2: {  	s20 =	sadd.s32 $0x1A, s20;
	v3 =	vadd.f32 v4, v3;
	v4 =	vmul.f32 v5, v5;
	v5 =	vld [tilespmem:s29+$0xA0]  }
0x1a3: {  	v7 =	vadd.f32 v6, v7;
	v10 =	vld [tilespmem:s20+$0x0]  }
0x1a4: {  	v3 =	vadd.f32 v4, v3;
	v4 =	vmul.f32 v6, v6;
	v6 =	vld [tilespmem:s29+$0xB0]  }
0x1a5: {  	v7 =	vadd.f32 v8, v7  }
0x1a6: {  	v3 =	vadd.f32 v4, v3;
	v4 =	vmul.f32 v8, v8;
	v8 =	vld [tilespmem:s29+$0xC0];
	v9 =	vmul.f32 v1, v9  }
0x1a7: {  	v7 =	vadd.f32 v5, v7  }
0x1a8: {  	v3 =	vadd.f32 v4, v3;
	v4 =	vmul.f32 v5, v5;
	v5 =	vadd.f32 v9, v10  }
0x1a9: {  	v7 =	vadd.f32 v6, v7  }
0x1aa: {  	v3 =	vadd.f32 v4, v3;
	v4 =	vmul.f32 v6, v6;
	(xrf2) =	vadd.scan.msk.f32 $0xffff, v5  }
0x1ab: {  	v5 =	vadd.f32 v8, v7  }
0x1ac: {  	v3 =	vadd.f32 v4, v3;
	v4 =	vmul.f32 v8, v8  }
0x1ad: {  	(xrf2) =	vadd.scan.msk.f32 $0xffff, v5  }
0x1ae: {  	v3 =	vadd.f32 v4, v3;
	_ =	sdelay $0x1  }
0x1af: {  	(xrf2) =	vadd.scan.msk.f32 $0xffff, v3;
	_ =	sdelay $0x3  }
0x1b0: {  	v3, _, _ =	vpop (xrf2);
	_ =	sdelay $0x2  }
0x1b1: {  	v4, _, _ =	vpop (xrf2);
	_ =	sdelay $0x1  }
0x1b2: {  	v4 =	vmul.f32 v4, v4  }
0x1b3: {  	v5, _, _ =	vpop (xrf2)  }
0x1b4: {  	v4 =	vsub.f32 v4, v5;
	_ =	sdelay $0x1  }
0x1b5: {  	v3 =	vadd.f32 v3, v2;
	v4 =	vmul.f32 $5.000000000e-01, v4;
	_ =	sdelay $0x1  }
0x1b6: {  	v3 =	vadd.f32 v3, v4;
	_ =	sdelay $0x1  }
0x1b7: {  	v3 =	vsub.f32 $0.0e+00, v3;
	_ =	sdelay $0x1  }
0x1b8: {  	v3 =	vmul.f32 $1.442695020e+00, v3;
	_ =	sdelay $0x1  }
0x1b9: {  	(erf) = vpow2.f32 v3;
	_ =	sdelay $0x8  }
0x1ba: {  	v3 =	vpop (erf)  }
0x1bb: {  	v3 =	vadd.f32 $1.000000000e+00, v3;
	_ =	sdelay $0x1  }
0x1bc: {  	(erf) = vrcp.f32 v3;
	_ =	sdelay $0x4  }
0x1bd: {  	v3 =	vmov s25;
	s25 =	smov.u32 s30;
	_ =	sdelay $0x3  }
.Ltmp1:
0x1be: {  	v4 =	vpop (erf);
	(pc) =	sbr.rel @p0 .LBB2_5-.Ltmp1, $4  }
0x1bf: {  	s29 =	sadd.s32 $0x1A0, s29;
	[tilespmem:v3+s14+$0x0] =	vst.idx.msk vm0, v4  }
0x1c0: {  	v3 =	vld [tilespmem:s29+$0xFFFFFF30]  }
0x1c1: {  	v4 =	vld [tilespmem:s29+$0xFFFFFF40]  }
0x1c2: {  	s30 =	sadd.s32 $0x1, s30  }
0x1c3: {  	v5 =	vld [tilespmem:s29+$0xFFFFFF50];
	_ =	sdelay $0x1  }
0x1c4: {  	v6 =	vld [tilespmem:s29+$0xFFFFFF60]  }
0x1c5: {  	v7 =	vadd.f32 v4, v3;
	v3 =	vmul.f32 v3, v3;
	v13 =	vmul.f32 v4, v4  }
0x1c6: {  	v8 =	vld [tilespmem:s29+$0xFFFFFF70]  }
0x1c7: {  	v7 =	vadd.f32 v5, v7;
	v3 =	vadd.f32 v13, v3;
	v14 =	vmul.f32 v5, v5  }
0x1c8: {  	v15 =	vld [tilespmem:s29+$0xFFFFFF80]  }
0x1c9: {  	v16 =	vmul.f32 v6, v6;
	v7 =	vadd.f32 v6, v7;
	v3 =	vadd.f32 v14, v3  }
0x1ca: {  	v17 =	vld [tilespmem:s29+$0xFFFFFF90]  }
0x1cb: {  	v18 =	vmul.f32 v8, v8;
	v7 =	vadd.f32 v8, v7;
	v3 =	vadd.f32 v16, v3  }
0x1cc: {  	v19 =	vld [tilespmem:s29+$0xFFFFFFA0]  }
0x1cd: {  	v20 =	vmul.f32 v15, v15;
	v7 =	vadd.f32 v15, v7;
	v3 =	vadd.f32 v18, v3  }
0x1ce: {  	v21 =	vld [tilespmem:s29+$0xFFFFFFB0]  }
0x1cf: {  	v22 =	vmul.f32 v17, v17;
	v7 =	vadd.f32 v17, v7;
	v3 =	vadd.f32 v20, v3  }
0x1d0: {  	v23 =	vld [tilespmem:s29+$0xFFFFFFC0]  }
0x1d1: {  	v24 =	vmul.f32 v19, v19;
	v7 =	vadd.f32 v19, v7;
	v3 =	vadd.f32 v22, v3  }
0x1d2: {  	v25 =	vld [tilespmem:s29+$0xFFFFFFD0]  }
0x1d3: {  	v26 =	vmul.f32 v21, v21;
	v7 =	vadd.f32 v21, v7;
	v3 =	vadd.f32 v24, v3  }
0x1d4: {  	v27 =	vld [tilespmem:s29+$0xFFFFFFE0]  }
0x1d5: {  	v28 =	vmul.f32 v23, v23;
	v7 =	vadd.f32 v23, v7;
	v3 =	vadd.f32 v26, v3  }
0x1d6: {  	v29 =	vld [tilespmem:s29+$0xFFFFFFF0]  }
0x1d7: {  	v30 =	vmul.f32 v25, v25;
	v7 =	vadd.f32 v25, v7;
	v3 =	vadd.f32 v28, v3  }
0x1d8: {  	v31 =	vld [tilespmem:s29+$0x0]  }
0x1d9: {  	v32 =	vmul.f32 v27, v27;
	v7 =	vadd.f32 v27, v7;
	v3 =	vadd.f32 v30, v3  }
0x1da: {  	v33 =	vld [tilespmem:s29+$0x10]  }
0x1db: {  	v34 =	vmul.f32 v29, v29;
	v7 =	vadd.f32 v29, v7;
	v3 =	vadd.f32 v32, v3  }
0x1dc: {  	v35 =	vld [tilespmem:s29+$0x20]  }
0x1dd: {  	v36 =	vmul.f32 v31, v31;
	v7 =	vadd.f32 v31, v7;
	v3 =	vadd.f32 v34, v3  }
0x1de: {  	v37 =	vld [tilespmem:s29+$0x30]  }
0x1df: {  	v38 =	vmul.f32 v33, v33;
	v7 =	vadd.f32 v33, v7;
	v3 =	vadd.f32 v36, v3  }
0x1e0: {  	v39 =	vld [tilespmem:s29+$0x40]  }
0x1e1: {  	v40 =	vmul.f32 v35, v35;
	v7 =	vadd.f32 v35, v7;
	v3 =	vadd.f32 v38, v3  }
0x1e2: {  	v41 =	vld [tilespmem:s29+$0x50]  }
0x1e3: {  	v42 =	vmul.f32 v37, v37;
	v7 =	vadd.f32 v37, v7;
	v3 =	vadd.f32 v40, v3  }
0x1e4: {  	v43 =	vld [tilespmem:s29+$0x60]  }
0x1e5: {  	v44 =	vmul.f32 v39, v39;
	v7 =	vadd.f32 v39, v7;
	v3 =	vadd.f32 v42, v3  }
0x1e6: {  	v45 =	vld [tilespmem:s29+$0x70]  }
0x1e7: {  	v46 =	vmul.f32 v41, v41;
	v7 =	vadd.f32 v41, v7;
	v3 =	vadd.f32 v44, v3  }
0x1e8: {  	v47 =	vld [tilespmem:s29+$0x80]  }
0x1e9: {  	s5 =	sadd.s32 $0x1A, s23;
	v48 =	vmul.f32 v43, v43;
	v7 =	vadd.f32 v43, v7;
	v3 =	vadd.f32 v46, v3  }
0x1ea: {  	v49 =	vld [tilespmem:s29+$0x90];
	s10 =	sadd.s32 $0x10, s5  }
0x1eb: {  	s5 =	sand.u32 $0x6, s5;
	s10 =	sand.u32 $0xFF8, s10;
	v50 =	vmul.f32 v45, v45;
	v7 =	vadd.f32 v45, v7;
	v3 =	vadd.f32 v48, v3  }
0x1ec: {  	v51 =	vld [tilespmem:s29+$0xA0];
	s5 =	sor.u32 s5, s10  }
0x1ed: {  	v9 =	vld [tilespmem:s5+$0x7500];
	v52 =	vmul.f32 v47, v47;
	v7 =	vadd.f32 v47, v7;
	v3 =	vadd.f32 v50, v3  }
0x1ee: {  	s23 =	sadd.s32 $0x1A, s20;
	v53 =	vld [tilespmem:s29+$0xB0]  }
0x1ef: {  	v10 =	vld [tilespmem:s23+$0x0];
	v54 =	vmul.f32 v49, v49;
	v7 =	vadd.f32 v49, v7;
	v3 =	vadd.f32 v52, v3  }
0x1f0: {  	v55 =	vld [tilespmem:s29+$0xC0]  }
0x1f1: {  	v56 =	vmul.f32 v51, v51;
	v7 =	vadd.f32 v51, v7;
	v3 =	vadd.f32 v54, v3  }
0x1f2: {  	v57 =	vmul.f32 v1, v9  }
0x1f3: {  	v58 =	vmul.f32 v53, v53;
	v7 =	vadd.f32 v53, v7;
	v3 =	vadd.f32 v56, v3  }
0x1f4: {  	v5 =	vadd.f32 v57, v10  }
0x1f5: {  	v60 =	vmul.f32 v55, v55;
	v59 =	vadd.f32 v55, v7;
	v3 =	vadd.f32 v58, v3  }
0x1f6: {  	(xrf2) =	vadd.scan.msk.f32 $0xffff, v5  }
0x1f7: {  	(xrf2) =	vadd.scan.msk.f32 $0xffff, v59;
	v3 =	vadd.f32 v60, v3;
	_ =	sdelay $0x1  }
0x1f8: {  	(xrf2) =	vadd.scan.msk.f32 $0xffff, v3;
	_ =	sdelay $0x6  }
0x1f9: {  	v3, _, _ =	vpop (xrf2)  }
0x1fa: {  	v61, _, _ =	vpop (xrf2)  }
0x1fb: {  	v4 =	vmul.f32 v61, v61  }
0x1fc: {  	v62, _, _ =	vpop (xrf2)  }
0x1fd: {  	v4 =	vsub.f32 v4, v62;
	_ =	sdelay $0x1  }
0x1fe: {  	v3 =	vadd.f32 v3, v2;
	v4 =	vmul.f32 $5.000000000e-01, v4;
	_ =	sdelay $0x1  }
0x1ff: {  	v3 =	vadd.f32 v3, v4;
	_ =	sdelay $0x1  }
0x200: {  	v3 =	vsub.f32 $0.0e+00, v3;
	_ =	sdelay $0x1  }
0x201: {  	v3 =	vmul.f32 $1.442695020e+00, v3;
	_ =	sdelay $0x1  }
0x202: {  	(erf) = vpow2.f32 v3;
	_ =	sdelay $0x8  }
0x203: {  	v3 =	vpop (erf)  }
0x204: {  	v3 =	vadd.f32 $1.000000000e+00, v3;
	_ =	sdelay $0x1  }
0x205: {  	(erf) = vrcp.f32 v3;
	_ =	sdelay $0x4  }
0x206: {  	v3 =	vmov s25;
	_ =	sdelay $0x2  }
0x207: {  	s16 =	sadd.s32 $0x1, s16  }
0x208: {  	s29 =	sshrl.u32 s19, $0x3;
	s30 =	rddreg [dreg:$0x3];
	p0 =	sne.s32 s16, $0x8;
	v63 =	vpop (erf)  }
.Ltmp2:
0x209: {  	s5 =	sadd.s32 s30, s29;
	[tilespmem:v3+s14+$0x0] =	vst.idx.msk vm0, v63;
	(pc) =	sbr.rel @p0 .LBB2_2-.Ltmp2, $4  }
0x20a: {  	[hbm4b:s5+s4] =	stream.linear.scatter [tilespmem:s14], [sflag:$0x2], $0x40, $0x38;
	[tilespmem:$0x7BE0] =	vst v63  }
0x20b: {  	_ =	swait.ge [sflag:s11], $0x40  }
0x20c: {  	[sflag:s11] =	ssyncset.done $0x0  }
0x20d: {  	[sflag:s11] =	ssyncadd.s32 $0xFFFFFFC0  }
0x20e: {  	s10 =	rddreg [dreg:$0x6]  }
0x20f: {  	s5 =	rddreg [dreg:$0x5];
	s10 =	sadd.s32 $0x1, s10  }
0x210: {  	p0 =	sne.s32 s10, s5  }
.Ltmp3:
0x211: {  	_ = 	snop;
	(pc) =	sbr.rel @p0 .LBB2_1-.Ltmp3, $1  }
0x212: {  	_ =	sdelay $0x3  }
0x213: {  	_ =	sfence.sel $0x180000  }
0x214: {  	[bflag:$0x0] =	sbarrier.arrive $0xFFFF  }
0x215: {  	_ =	strace $0x90000047  }
0x216: {  	s0 =	stileid.u32;
	[bflag:$0x2] =	sbarrier.arrive $0xFFFF  }
0x217: {  	p0 =	sne.s32 s0, $0x0;
	s0 =	rddreg [dreg:$0x4]  }
0x218: {  	s0 =	sadd.s32 @!p0 $0x100000, s0  }
0x219: {  	[sflag:s0] =	ssyncadd.tile.s32 @!p0 $0x1;
	_ =	shalt  }
.Lfunc_end2:
_tile_overlayer_lowered:
.L_overlay_start_2:
0x21a: {  	(tag) =	ssettag $0x2  }
0x21b: {  	s0 =	rddreg [dreg:$0x0];
	s2 =	stileid.u32  }
0x21c: {  	s1 =	rddreg [dreg:$0x1];
	p0 =	sne.s32 s2, $0x0  }
0x21d: {  	s3 =	rddreg [dreg:$0x2];
	[bflag:$0x3] =	sbarrier.arrive $0xFFFF;
	s2 =	simm.s32 @!p0 $0x1C02  }
0x21e: {  	[timem:s3], [sflag:s2] =	dma.local @!p0 [hbm:s0], s1  }
0x21f: {  	s0 =	simm.s32 @!p0 $0x2  }
0x220: {  	_ =	swait.ge @!p0 [sflag:s0], s1  }
0x221: {  	s1 =	ssub.s32 @!p0 $0x0, s1;
	[sflag:s0] =	ssyncset.done @!p0 $0x0  }
0x222: {  	[sflag:s0] =	ssyncadd.s32 @!p0 s1  }
0x223: {  	[bflag:$0x3] =	sbarrier.arrive $0xFFFF  }
0x224: {  	_ =	shalt  }

</sc_bundles>
